<compile_context>
chip_gen: v7x
topology: tpu7x:2x2x1
jax: 0.10.2.dev20260603
libtpu: 0.0.44.dev20260713+nightly
codegen_flags: <defaults>
</compile_context>

<pallas_src>
import functools

import numpy as np
import jax
import jax.numpy as jnp
from jax.experimental import pallas as pl
from jax.experimental.pallas import tpu as pltpu

_BSZ = 128
_NTOP = 2
_MASK = float(-np.finfo(np.float32).max)
_G = 8


def _prep_sortnet_body(q_ref, k_ref, v_ref, nk_ref, nv_ref, sq_ref, skp_ref,
                       kvq_ref, idx_ref, val_ref, *,
                       buckets, bsz, dh, heads, hh):
    i = pl.program_id(0)
    flag = ((i % heads) >= hh).astype(jnp.int32)
    pred = (jnp.zeros((1, 1), jnp.int32) + flag) > 0

    def rollsel(x):
        xr = jnp.concatenate([x[bsz - 1:], x[:bsz - 1]], axis=0)
        return jnp.where(pred, xr, x)

    qv = rollsel(q_ref[0])
    kv = rollsel(k_ref[0])
    vv = rollsel(v_ref[0])

    kvq_ref[0, :buckets, 0] = kv.reshape(buckets, bsz, dh)
    kvq_ref[0, :buckets, 1] = vv.reshape(buckets, bsz, dh)
    kvq_ref[0, :buckets, 2] = qv.reshape(buckets, bsz, dh)
    nkb = jnp.broadcast_to(nk_ref[0], (bsz, dh))
    nvb = jnp.broadcast_to(nv_ref[0], (bsz, dh))
    zb = jnp.zeros((bsz, dh), jnp.float32)
    for j in range(_NTOP):
        kvq_ref[0, buckets + j, 0] = nkb
        kvq_ref[0, buckets + j, 1] = nvb
        kvq_ref[0, buckets + j, 2] = zb

    r18 = jax.lax.dot_general(
        sq_ref[0], skp_ref[0], (((1,), (1,)), ((), ())),
        preferred_element_type=jnp.float32) * (dh ** -0.5)
    rows18 = jax.lax.broadcasted_iota(jnp.int32, (buckets, buckets + _NTOP), 0)
    cols18 = jax.lax.broadcasted_iota(jnp.int32, (buckets, buckets + _NTOP), 1)
    r18 = jnp.where((cols18 >= _NTOP) & ((cols18 - _NTOP) >= rows18),
                    _MASK, r18)

    def top1(x):
        m = jnp.max(x, axis=-1, keepdims=True)
        e = jnp.exp(x - m)
        p = e / jnp.sum(e, axis=-1, keepdims=True)
        v = jnp.max(p, axis=-1)
        i = jnp.min(jnp.where(p >= v[:, None], cols18, buckets + _NTOP),
                    axis=-1)
        return i, v

    i0, v0 = top1(r18)
    r18b = jnp.where(cols18 == i0[:, None], -jnp.inf, r18)
    i1, v1 = top1(r18b)

    lane = jax.lax.broadcasted_iota(jnp.int32, (buckets, 128), 1)
    i0m = jnp.where(i0 >= _NTOP, i0 - _NTOP, i0 + buckets)
    i1m = jnp.where(i1 >= _NTOP, i1 - _NTOP, i1 + buckets)
    idx_ref[0] = jnp.where(lane == 0, i0m[:, None],
                           jnp.where(lane == 1, i1m[:, None], 0)).astype(jnp.int32)
    val_ref[0] = jnp.where(lane == 0, v0[:, None],
                           jnp.where(lane == 1, v1[:, None], 0.0))


def _attn_body(idx_ref, val_ref, loc_ref, *refs, g_per_step, bsz, dh):
    o_ref = refs[-1]
    gat = refs[:-1]
    b = pl.program_id(0)
    wstep = pl.program_id(1)
    sc = dh ** -0.5
    rows = jax.lax.broadcasted_iota(jnp.int32, (bsz, bsz), 0)
    cols = jax.lax.broadcasted_iota(jnp.int32, (bsz, bsz), 1)
    causal = cols > rows
    dims = (((1,), (1,)), ((), ()))

    for g in range(g_per_step):
        kg0r, kg1r = gat[2 * g], gat[2 * g + 1]
        u = wstep * g_per_step + g
        s0 = val_ref[b, u, 0]
        s1 = val_ref[b, u, 1]
        kl = loc_ref[0, g, 0]
        vl = loc_ref[0, g, 1]
        q = loc_ref[0, g, 2]
        d0 = jax.lax.dot_general(q, kg0r[0, 0, 0], dims,
                                 preferred_element_type=jnp.float32) * (s0 * sc)
        d1 = jax.lax.dot_general(q, kg1r[0, 0, 0], dims,
                                 preferred_element_type=jnp.float32) * (s1 * sc)
        dl = jax.lax.dot_general(q, kl, dims,
                                 preferred_element_type=jnp.float32) * sc
        dl = jnp.where(causal, _MASK, dl)

        e0 = jnp.exp(d0)
        e1 = jnp.exp(d1)
        el = jnp.exp(dl)
        denom = (jnp.sum(e0, axis=-1) + jnp.sum(e1, axis=-1)
                 + jnp.sum(el, axis=-1))[:, None]

        o = (jnp.dot(e0, kg0r[0, 0, 1], preferred_element_type=jnp.float32) * s0
             + jnp.dot(e1, kg1r[0, 0, 1], preferred_element_type=jnp.float32) * s1
             + jnp.dot(el, vl, preferred_element_type=jnp.float32))
        o_ref[0, g * bsz:(g + 1) * bsz, :] = o / denom


def kernel(q, k, v, null_keys, null_values):
    b, h, t, dh = q.shape
    bsz = _BSZ
    hh = h // 2
    bh = b * h
    buckets = t // bsz
    n_top = min(_NTOP, buckets)
    g_per = _G

    qf = q.reshape(bh, t, dh)
    kf = k.reshape(bh, t, dh)
    vf = v.reshape(bh, t, dh)

    def rot(x, shift):
        return jnp.concatenate(
            [x[:, :hh], jnp.roll(x[:, hh:], shift, axis=2)], axis=1)

    def cumavg(x, axis):
        r = jnp.arange(1, x.shape[axis] + 1, dtype=x.dtype)
        shape = [1] * x.ndim
        shape[axis] = -1
        return jnp.cumsum(x, axis=axis) / r.reshape(shape)

    qrot = rot(q, -(bsz - 1)).reshape(bh, t, dh)
    krot = rot(k, -(bsz - 1)).reshape(bh, t, dh)
    sq = cumavg(qrot, 1).reshape(bh, buckets, bsz, dh)[:, :, 0]
    sk = cumavg(krot, 1).reshape(bh, buckets, bsz, dh).sum(axis=2)
    skp = jnp.pad(sk, ((0, 0), (n_top, 0), (0, 0)))

    kvq, idx_pad, val_pad = pl.pallas_call(
        functools.partial(_prep_sortnet_body, buckets=buckets, bsz=bsz,
                          dh=dh, heads=h, hh=hh),
        grid=(bh,),
        in_specs=[
            pl.BlockSpec((1, t, dh), lambda i: (i, 0, 0)),
            pl.BlockSpec((1, t, dh), lambda i: (i, 0, 0)),
            pl.BlockSpec((1, t, dh), lambda i: (i, 0, 0)),
            pl.BlockSpec((1, 1, dh), lambda i: (i % h, 0, 0)),
            pl.BlockSpec((1, 1, dh), lambda i: (i % h, 0, 0)),
            pl.BlockSpec((1, buckets, dh), lambda i: (i, 0, 0)),
            pl.BlockSpec((1, buckets + n_top, dh), lambda i: (i, 0, 0)),
        ],
        out_specs=[
            pl.BlockSpec((1, buckets + n_top, 3, bsz, dh),
                         lambda i: (i, 0, 0, 0, 0)),
            pl.BlockSpec((1, buckets, 128), lambda i: (i, 0, 0)),
            pl.BlockSpec((1, buckets, 128), lambda i: (i, 0, 0)),
        ],
        out_shape=[
            jax.ShapeDtypeStruct((bh, buckets + n_top, 3, bsz, dh),
                                 jnp.float32),
            jax.ShapeDtypeStruct((bh, buckets, 128), jnp.int32),
            jax.ShapeDtypeStruct((bh, buckets, 128), jnp.float32),
        ],
    )(qf, kf, vf, null_keys, null_values, sq, skp)

    idxr = idx_pad[:, :, :n_top]
    val2 = val_pad[:, :, :n_top]

    in_specs = [pl.BlockSpec((1, g_per, 3, bsz, dh),
                             lambda bi, w, idx, val: (bi, w, 0, 0, 0))]
    gblk = (1, 1, 2, bsz, dh)
    for g in range(g_per):
        in_specs += [
            pl.BlockSpec(gblk, lambda bi, w, idx, val, g=g:
                         (bi, idx[bi, w * _G + g, 0], 0, 0, 0)),
            pl.BlockSpec(gblk, lambda bi, w, idx, val, g=g:
                         (bi, idx[bi, w * _G + g, 1], 0, 0, 0)),
        ]
    operands = [kvq] + [kvq] * (2 * g_per)

    grid_spec = pltpu.PrefetchScalarGridSpec(
        num_scalar_prefetch=2,
        grid=(bh, buckets // g_per),
        in_specs=in_specs,
        out_specs=pl.BlockSpec((1, g_per * bsz, dh),
                               lambda bi, w, idx, val: (bi, w, 0)),
    )
    out = pl.pallas_call(
        functools.partial(_attn_body, g_per_step=g_per, bsz=bsz, dh=dh),
        grid_spec=grid_spec,
        out_shape=jax.ShapeDtypeStruct((bh, t, dh), jnp.float32),
    )(idxr, val2, *operands)

    out = out.reshape(b, h, t, dh)
    out = jnp.concatenate(
        [out[:, :hh], jnp.roll(out[:, hh:], bsz - 1, axis=2)], axis=1)
    return out

# --- scband reference (transcript-rebuilt; emitter-appended) ---
"""Pipeline reference for scband-sinkhorn-causal-attention-25391846654032 (READ-ONLY COPY).

The authoritative reference and input builder live on the scoring server;
editing this copy changes nothing except your own understanding.
"""

import jax, jax.numpy as jnp
import numpy as np

B, H, T, DH = 2, 16, 2048, 128
BSZ = 128
N_TOP = 2
TEMPERATURE = 1.0
MASK_VALUE = -jnp.finfo(jnp.float32).max


def cumavg(t, axis):
    r = jnp.arange(1, t.shape[axis] + 1, dtype=t.dtype)
    shape = [1] * t.ndim
    shape[axis] = -1
    return jnp.cumsum(t, axis=axis) / r.reshape(shape)


def differentiable_topk(x, k, temperature=1.0):
    lead = x.shape[:-2]
    n, dim = x.shape[-2], x.shape[-1]
    topk_tensors = []
    for i in range(k):
        sm = jax.nn.softmax(x / temperature, axis=-1)
        idx = jnp.argmax(sm, axis=-1)
        val = jnp.max(sm, axis=-1)
        oh = jax.nn.one_hot(idx, dim, dtype=x.dtype)
        topk_tensors.append(oh * val[..., None])
        if i != k - 1:
            x = jnp.where(oh > 0, -jnp.inf, x)
    topks = jnp.concatenate(topk_tensors, axis=-1)
    return topks.reshape(*lead, k * n, dim)


def mask_reordering_matrix(R, topk, temperature):
    buckets = R.shape[1]
    rows = jnp.arange(buckets)
    cols = jnp.arange(R.shape[2])
    mask = (cols[None, :] >= topk) & ((cols[None, :] - topk) >= rows[:, None])
    R = jnp.where(mask[None, :, :], MASK_VALUE, R)
    return differentiable_topk(R, topk, temperature)


def sort_net(q, k, bucket_size, dim, temperature, topk):
    bh = q.shape[0]
    buckets = q.shape[1] // bucket_size
    kv_buckets = k.shape[1] // bucket_size
    q_r = cumavg(q, 1).reshape(bh, buckets, bucket_size, dim)
    k_r = cumavg(k, 1).reshape(bh, kv_buckets, bucket_size, dim)
    sq = q_r[:, :, 0]
    sk = k_r.sum(axis=2)
    sk = jnp.pad(sk, ((0, 0), (topk, 0), (0, 0)))
    R = jnp.einsum('bie,bje->bij', sq, sk) * (dim ** -0.5)
    return mask_reordering_matrix(R, topk, temperature)


def sinkhorn_causal_attention(q, k, v, null_keys, null_values):
    b, h, t, d_h = q.shape
    bsz = BSZ
    bh = b * h
    hh = h // 2
    buckets = t // bsz
    n_top = min(N_TOP, buckets)

    def rot(x, shift):
        return jnp.concatenate([x[:, :hh], jnp.roll(x[:, hh:], shift, axis=2)], axis=1)

    q = rot(q, -(bsz - 1))
    k = rot(k, -(bsz - 1))
    v = rot(v, -(bsz - 1))

    q = q.reshape(bh, t, d_h)
    k = k.reshape(bh, t, d_h)
    v = v.reshape(bh, t, d_h)

    b_q = q.reshape(bh, buckets, bsz, d_h)
    b_k = k.reshape(bh, buckets, bsz, d_h)
    b_v = v.reshape(bh, buckets, bsz, d_h)

    R = sort_net(q, k, bsz, d_h, TEMPERATURE, n_top)
    R = R.astype(q.dtype)

    b_null_k = jnp.broadcast_to(null_keys[None, :, None, :, :], (b, h, n_top, bsz, d_h)).reshape(bh, n_top, bsz, d_h)
    b_null_v = jnp.broadcast_to(null_values[None, :, None, :, :], (b, h, n_top, bsz, d_h)).reshape(bh, n_top, bsz, d_h)

    b_k_r = jnp.concatenate([b_null_k, b_k], axis=1)
    b_v_r = jnp.concatenate([b_null_v, b_v], axis=1)

    b_k_r = jnp.einsum('buv,bvtd->butd', R, b_k_r).reshape(bh, buckets, bsz * n_top, d_h)
    b_v_r = jnp.einsum('buv,bvtd->butd', R, b_v_r).reshape(bh, buckets, bsz * n_top, d_h)

    b_k_full = jnp.concatenate([b_k_r, b_k], axis=2)
    b_v_full = jnp.concatenate([b_v_r, b_v], axis=2)

    dots = jnp.einsum('buie,buje->buij', b_q, b_k_full) * (d_h ** -0.5)

    shift = n_top * bsz
    i = jnp.arange(bsz)
    causal = i[None, :] > i[:, None]
    mask = jnp.concatenate([jnp.zeros((bsz, shift), dtype=bool), causal], axis=-1)
    dots = jnp.where(mask[None, None, :, :], MASK_VALUE, dots)

    attn = jax.nn.softmax(dots, axis=-1)
    out = jnp.einsum('buij,buje->buie', attn, b_v_full)
    out = out.reshape(b, h, t, d_h)
    out = jnp.concatenate([out[:, :hh], jnp.roll(out[:, hh:], bsz - 1, axis=2)], axis=1)
    return out


def setup_inputs(seed: int = 0):
    key = jax.random.key(seed)
    kq, kk, kv, kn1, kn2 = jax.random.split(key, 5)
    q = jax.random.normal(kq, (B, H, T, DH), dtype=jnp.float32)
    k = jax.random.normal(kk, (B, H, T, DH), dtype=jnp.float32)
    v = jax.random.normal(kv, (B, H, T, DH), dtype=jnp.float32)
    null_keys = jax.random.normal(kn1, (H, 1, DH), dtype=jnp.float32)
    null_values = jax.random.normal(kn2, (H, 1, DH), dtype=jnp.float32)
    return {"q": q, "k": k, "v": v, "null_keys": null_keys, "null_values": null_values}


def reference(q, k, v, null_keys, null_values):
    return sinkhorn_causal_attention(q, k, v, null_keys, null_values)

if __name__ == "__main__":
    import jax
    _d = setup_inputs()
    print(jax.jit(kernel)(*tuple(_d.values())))

</pallas_src>

<mosaic_0001>
module attributes {stable_mosaic.version = 14 : i64} {
  func.func @_prep_sortnet_body(%arg0: i32, %arg1: memref<1x2048x128xf32, #tpu.memory_space<vmem>>, %arg2: memref<1x2048x128xf32, #tpu.memory_space<vmem>>, %arg3: memref<1x2048x128xf32, #tpu.memory_space<vmem>>, %arg4: memref<1x1x128xf32, #tpu.memory_space<vmem>>, %arg5: memref<1x1x128xf32, #tpu.memory_space<vmem>>, %arg6: memref<1x16x128xf32, #tpu.memory_space<vmem>>, %arg7: memref<1x18x128xf32, #tpu.memory_space<vmem>>, %arg8: memref<1x18x3x128x128xf32, #tpu.memory_space<vmem>>, %arg9: memref<1x16x128xi32, #tpu.memory_space<vmem>>, %arg10: memref<1x16x128xf32, #tpu.memory_space<vmem>>) attributes {dimension_semantics = [#tpu.dimension_semantics<arbitrary>], iteration_bounds = array<i64: 32>, scalar_prefetch = 0 : i64, scratch_operands = 0 : i64, tpu.core_type = #tpu.core_type<tc>, window_params = [{transform_indices = @transform_0, window_bounds = array<i64: 1, 2048, 128>}, {transform_indices = @transform_1, window_bounds = array<i64: 1, 2048, 128>}, {transform_indices = @transform_2, window_bounds = array<i64: 1, 2048, 128>}, {transform_indices = @transform_3, window_bounds = array<i64: 1, 1, 128>}, {transform_indices = @transform_4, window_bounds = array<i64: 1, 1, 128>}, {transform_indices = @transform_5, window_bounds = array<i64: 1, 16, 128>}, {transform_indices = @transform_6, window_bounds = array<i64: 1, 18, 128>}, {transform_indices = @transform_7, window_bounds = array<i64: 1, 18, 3, 128, 128>}, {transform_indices = @transform_8, window_bounds = array<i64: 1, 16, 128>}, {transform_indices = @transform_9, window_bounds = array<i64: 1, 16, 128>}]} {
    %jit3A = arith.constant 16 : i32
    %eq3A = arith.constant 0 : i32
    %eq3A_0 = arith.cmpi eq, %jit3A, %eq3A : i32
    %jit3A_1 = arith.constant 1 : i32
    %select_n3A = arith.select %eq3A_0, %jit3A_1, %jit3A : i32
    %rem3A = arith.remsi %arg0, %select_n3A : i32
    %ne3A = arith.constant 0 : i32
    %ne3A_2 = arith.cmpi ne, %rem3A, %ne3A : i32
    %lt3A = arith.constant 0 : i32
    %lt3A_3 = arith.cmpi slt, %rem3A, %lt3A : i32
    %lt3A_4 = arith.constant 0 : i32
    %lt3A_5 = arith.cmpi slt, %select_n3A, %lt3A_4 : i32
    %ne3A_6 = arith.xori %lt3A_3, %lt3A_5 : i1
    %and3A = arith.andi %ne3A_6, %ne3A_2 : i1
    %add3A = arith.addi %rem3A, %select_n3A : i32
    %select_n3A_7 = arith.select %and3A, %add3A, %rem3A : i32
    %ge3A = arith.constant 8 : i32
    %ge3A_8 = arith.cmpi sge, %select_n3A_7, %ge3A : i32
    %convert_element_type3A = arith.extui %ge3A_8 : i1 to i32
    %broadcast_in_dim3A = arith.constant 0 : i32
    %broadcast_in_dim3A_9 = vector.broadcast %broadcast_in_dim3A : i32 to vector<1x1xi32>
    %add3A_10 = vector.broadcast %convert_element_type3A : i32 to vector<1x1xi32>
    %add3A_11 = arith.addi %broadcast_in_dim3A_9, %add3A_10 : vector<1x1xi32>
    %gt3A = arith.constant 0 : i32
    %gt3A_12 = vector.broadcast %gt3A : i32 to vector<1x1xi32>
    %gt3A_13 = arith.cmpi sgt, %add3A_11, %gt3A_12 : vector<1x1xi32>
    %get3A = arith.constant 0 : index
    %get3A_14 = arith.constant 0 : index
    %get3A_15 = arith.constant 0 : index
    %get3A_16 = vector.load %arg1[%get3A, %get3A_14, %get3A_15] : memref<1x2048x128xf32, #tpu.memory_space<vmem>>, vector<1x2048x128xf32>
    %get3A_17 = vector.shape_cast %get3A_16 : vector<1x2048x128xf32> to vector<2048x128xf32>
    %slice3A = vector.extract_strided_slice %get3A_17 {offsets = [127, 0], sizes = [1921, 128], strides = [1, 1]} : vector<2048x128xf32> to vector<1921x128xf32>
    %slice3A_18 = vector.extract_strided_slice %get3A_17 {offsets = [0, 0], sizes = [127, 128], strides = [1, 1]} : vector<2048x128xf32> to vector<127x128xf32>
    %concatenate3A = tpu.concatenate %slice3A, %slice3A_18 in 0 : vector<1921x128xf32>, vector<127x128xf32> -> vector<2048x128xf32>
    %broadcast_in_dim3A_19 = vector.shape_cast %gt3A_13 : vector<1x1xi1> to vector<1x1xi1>
    %broadcast_in_dim3A_20 = vector.broadcast %broadcast_in_dim3A_19 : vector<1x1xi1> to vector<2048x128xi1>
    %select_n3A_21 = arith.select %broadcast_in_dim3A_20, %concatenate3A, %get3A_17 : vector<2048x128xi1>, vector<2048x128xf32>
    %get3A_22 = arith.constant 0 : index
    %get3A_23 = arith.constant 0 : index
    %get3A_24 = arith.constant 0 : index
    %get3A_25 = vector.load %arg2[%get3A_22, %get3A_23, %get3A_24] : memref<1x2048x128xf32, #tpu.memory_space<vmem>>, vector<1x2048x128xf32>
    %get3A_26 = vector.shape_cast %get3A_25 : vector<1x2048x128xf32> to vector<2048x128xf32>
    %slice3A_27 = vector.extract_strided_slice %get3A_26 {offsets = [127, 0], sizes = [1921, 128], strides = [1, 1]} : vector<2048x128xf32> to vector<1921x128xf32>
    %slice3A_28 = vector.extract_strided_slice %get3A_26 {offsets = [0, 0], sizes = [127, 128], strides = [1, 1]} : vector<2048x128xf32> to vector<127x128xf32>
    %concatenate3A_29 = tpu.concatenate %slice3A_27, %slice3A_28 in 0 : vector<1921x128xf32>, vector<127x128xf32> -> vector<2048x128xf32>
    %broadcast_in_dim3A_30 = vector.shape_cast %gt3A_13 : vector<1x1xi1> to vector<1x1xi1>
    %broadcast_in_dim3A_31 = vector.broadcast %broadcast_in_dim3A_30 : vector<1x1xi1> to vector<2048x128xi1>
    %select_n3A_32 = arith.select %broadcast_in_dim3A_31, %concatenate3A_29, %get3A_26 : vector<2048x128xi1>, vector<2048x128xf32>
    %get3A_33 = arith.constant 0 : index
    %get3A_34 = arith.constant 0 : index
    %get3A_35 = arith.constant 0 : index
    %get3A_36 = vector.load %arg3[%get3A_33, %get3A_34, %get3A_35] : memref<1x2048x128xf32, #tpu.memory_space<vmem>>, vector<1x2048x128xf32>
    %get3A_37 = vector.shape_cast %get3A_36 : vector<1x2048x128xf32> to vector<2048x128xf32>
    %slice3A_38 = vector.extract_strided_slice %get3A_37 {offsets = [127, 0], sizes = [1921, 128], strides = [1, 1]} : vector<2048x128xf32> to vector<1921x128xf32>
    %slice3A_39 = vector.extract_strided_slice %get3A_37 {offsets = [0, 0], sizes = [127, 128], strides = [1, 1]} : vector<2048x128xf32> to vector<127x128xf32>
    %concatenate3A_40 = tpu.concatenate %slice3A_38, %slice3A_39 in 0 : vector<1921x128xf32>, vector<127x128xf32> -> vector<2048x128xf32>
    %broadcast_in_dim3A_41 = vector.shape_cast %gt3A_13 : vector<1x1xi1> to vector<1x1xi1>
    %broadcast_in_dim3A_42 = vector.broadcast %broadcast_in_dim3A_41 : vector<1x1xi1> to vector<2048x128xi1>
    %select_n3A_43 = arith.select %broadcast_in_dim3A_42, %concatenate3A_40, %get3A_37 : vector<2048x128xi1>, vector<2048x128xf32>
    %reshape3A = vector.shape_cast %select_n3A_32 : vector<2048x128xf32> to vector<16x128x128xf32>
    %swap3A = arith.constant 0 : index
    %swap3A_44 = arith.constant 0 : index
    %swap3A_45 = arith.constant 0 : index
    %swap3A_46 = arith.constant 0 : index
    %swap3A_47 = arith.constant 0 : index
    %swap3A_48 = vector.load %arg8[%swap3A, %swap3A_44, %swap3A_45, %swap3A_46, %swap3A_47] : memref<1x18x3x128x128xf32, #tpu.memory_space<vmem>>, vector<1x16x1x128x128xf32>
    %swap3A_49 = vector.shape_cast %swap3A_48 : vector<1x16x1x128x128xf32> to vector<16x128x128xf32>
    %swap3A_50 = vector.shape_cast %reshape3A : vector<16x128x128xf32> to vector<1x16x1x128x128xf32>
    tpu.vector_store %arg8[%swap3A, %swap3A_44, %swap3A_45, %swap3A_46, %swap3A_47], %swap3A_50 {strides = array<i32>} : memref<1x18x3x128x128xf32, #tpu.memory_space<vmem>>, vector<1x16x1x128x128xf32>,
    %reshape3A_51 = vector.shape_cast %select_n3A_43 : vector<2048x128xf32> to vector<16x128x128xf32>
    %swap3A_52 = arith.constant 0 : index
    %swap3A_53 = arith.constant 0 : index
    %swap3A_54 = arith.constant 1 : index
    %swap3A_55 = arith.constant 0 : index
    %swap3A_56 = arith.constant 0 : index
    %swap3A_57 = vector.load %arg8[%swap3A_52, %swap3A_53, %swap3A_54, %swap3A_55, %swap3A_56] : memref<1x18x3x128x128xf32, #tpu.memory_space<vmem>>, vector<1x16x1x128x128xf32>
    %swap3A_58 = vector.shape_cast %swap3A_57 : vector<1x16x1x128x128xf32> to vector<16x128x128xf32>
    %swap3A_59 = vector.shape_cast %reshape3A_51 : vector<16x128x128xf32> to vector<1x16x1x128x128xf32>
    tpu.vector_store %arg8[%swap3A_52, %swap3A_53, %swap3A_54, %swap3A_55, %swap3A_56], %swap3A_59 {strides = array<i32>} : memref<1x18x3x128x128xf32, #tpu.memory_space<vmem>>, vector<1x16x1x128x128xf32>,
    %reshape3A_60 = vector.shape_cast %select_n3A_21 : vector<2048x128xf32> to vector<16x128x128xf32>
    %swap3A_61 = arith.constant 0 : index
    %swap3A_62 = arith.constant 0 : index
    %swap3A_63 = arith.constant 2 : index
    %swap3A_64 = arith.constant 0 : index
    %swap3A_65 = arith.constant 0 : index
    %swap3A_66 = vector.load %arg8[%swap3A_61, %swap3A_62, %swap3A_63, %swap3A_64, %swap3A_65] : memref<1x18x3x128x128xf32, #tpu.memory_space<vmem>>, vector<1x16x1x128x128xf32>
    %swap3A_67 = vector.shape_cast %swap3A_66 : vector<1x16x1x128x128xf32> to vector<16x128x128xf32>
    %swap3A_68 = vector.shape_cast %reshape3A_60 : vector<16x128x128xf32> to vector<1x16x1x128x128xf32>
    tpu.vector_store %arg8[%swap3A_61, %swap3A_62, %swap3A_63, %swap3A_64, %swap3A_65], %swap3A_68 {strides = array<i32>} : memref<1x18x3x128x128xf32, #tpu.memory_space<vmem>>, vector<1x16x1x128x128xf32>,
    %get3A_69 = arith.constant 0 : index
    %get3A_70 = arith.constant 0 : index
    %get3A_71 = arith.constant 0 : index
    %get3A_72 = vector.load %arg4[%get3A_69, %get3A_70, %get3A_71] : memref<1x1x128xf32, #tpu.memory_space<vmem>>, vector<1x1x128xf32>
    %get3A_73 = vector.shape_cast %get3A_72 : vector<1x1x128xf32> to vector<1x128xf32>
    %broadcast_in_dim3A_74 = vector.shape_cast %get3A_73 : vector<1x128xf32> to vector<1x128xf32>
    %broadcast_in_dim3A_75 = vector.broadcast %broadcast_in_dim3A_74 : vector<1x128xf32> to vector<128x128xf32>
    %get3A_76 = arith.constant 0 : index
    %get3A_77 = arith.constant 0 : index
    %get3A_78 = arith.constant 0 : index
    %get3A_79 = vector.load %arg5[%get3A_76, %get3A_77, %get3A_78] : memref<1x1x128xf32, #tpu.memory_space<vmem>>, vector<1x1x128xf32>
    %get3A_80 = vector.shape_cast %get3A_79 : vector<1x1x128xf32> to vector<1x128xf32>
    %broadcast_in_dim3A_81 = vector.shape_cast %get3A_80 : vector<1x128xf32> to vector<1x128xf32>
    %broadcast_in_dim3A_82 = vector.broadcast %broadcast_in_dim3A_81 : vector<1x128xf32> to vector<128x128xf32>
    %broadcast_in_dim3A_83 = arith.constant 0.000000e+00 : f32
    %broadcast_in_dim3A_84 = vector.broadcast %broadcast_in_dim3A_83 : f32 to vector<128x128xf32>
    %swap3A_85 = arith.constant 0 : index
    %swap3A_86 = arith.constant 16 : index
    %swap3A_87 = arith.constant 0 : index
    %swap3A_88 = arith.constant 0 : index
    %swap3A_89 = arith.constant 0 : index
    %swap3A_90 = vector.load %arg8[%swap3A_85, %swap3A_86, %swap3A_87, %swap3A_88, %swap3A_89] : memref<1x18x3x128x128xf32, #tpu.memory_space<vmem>>, vector<1x1x1x128x128xf32>
    %swap3A_91 = vector.shape_cast %swap3A_90 : vector<1x1x1x128x128xf32> to vector<128x128xf32>
    %swap3A_92 = vector.shape_cast %broadcast_in_dim3A_75 : vector<128x128xf32> to vector<1x1x1x128x128xf32>
    tpu.vector_store %arg8[%swap3A_85, %swap3A_86, %swap3A_87, %swap3A_88, %swap3A_89], %swap3A_92 {strides = array<i32>} : memref<1x18x3x128x128xf32, #tpu.memory_space<vmem>>, vector<1x1x1x128x128xf32>,
    %swap3A_93 = arith.constant 0 : index
    %swap3A_94 = arith.constant 16 : index
    %swap3A_95 = arith.constant 1 : index
    %swap3A_96 = arith.constant 0 : index
    %swap3A_97 = arith.constant 0 : index
    %swap3A_98 = vector.load %arg8[%swap3A_93, %swap3A_94, %swap3A_95, %swap3A_96, %swap3A_97] : memref<1x18x3x128x128xf32, #tpu.memory_space<vmem>>, vector<1x1x1x128x128xf32>
    %swap3A_99 = vector.shape_cast %swap3A_98 : vector<1x1x1x128x128xf32> to vector<128x128xf32>
    %swap3A_100 = vector.shape_cast %broadcast_in_dim3A_82 : vector<128x128xf32> to vector<1x1x1x128x128xf32>
    tpu.vector_store %arg8[%swap3A_93, %swap3A_94, %swap3A_95, %swap3A_96, %swap3A_97], %swap3A_100 {strides = array<i32>} : memref<1x18x3x128x128xf32, #tpu.memory_space<vmem>>, vector<1x1x1x128x128xf32>,
    %swap3A_101 = arith.constant 0 : index
    %swap3A_102 = arith.constant 16 : index
    %swap3A_103 = arith.constant 2 : index
    %swap3A_104 = arith.constant 0 : index
    %swap3A_105 = arith.constant 0 : index
    %swap3A_106 = vector.load %arg8[%swap3A_101, %swap3A_102, %swap3A_103, %swap3A_104, %swap3A_105] : memref<1x18x3x128x128xf32, #tpu.memory_space<vmem>>, vector<1x1x1x128x128xf32>
    %swap3A_107 = vector.shape_cast %swap3A_106 : vector<1x1x1x128x128xf32> to vector<128x128xf32>
    %swap3A_108 = vector.shape_cast %broadcast_in_dim3A_84 : vector<128x128xf32> to vector<1x1x1x128x128xf32>
    tpu.vector_store %arg8[%swap3A_101, %swap3A_102, %swap3A_103, %swap3A_104, %swap3A_105], %swap3A_108 {strides = array<i32>} : memref<1x18x3x128x128xf32, #tpu.memory_space<vmem>>, vector<1x1x1x128x128xf32>,
    %swap3A_109 = arith.constant 0 : index
    %swap3A_110 = arith.constant 17 : index
    %swap3A_111 = arith.constant 0 : index
    %swap3A_112 = arith.constant 0 : index
    %swap3A_113 = arith.constant 0 : index
    %swap3A_114 = vector.load %arg8[%swap3A_109, %swap3A_110, %swap3A_111, %swap3A_112, %swap3A_113] : memref<1x18x3x128x128xf32, #tpu.memory_space<vmem>>, vector<1x1x1x128x128xf32>
    %swap3A_115 = vector.shape_cast %swap3A_114 : vector<1x1x1x128x128xf32> to vector<128x128xf32>
    %swap3A_116 = vector.shape_cast %broadcast_in_dim3A_75 : vector<128x128xf32> to vector<1x1x1x128x128xf32>
    tpu.vector_store %arg8[%swap3A_109, %swap3A_110, %swap3A_111, %swap3A_112, %swap3A_113], %swap3A_116 {strides = array<i32>} : memref<1x18x3x128x128xf32, #tpu.memory_space<vmem>>, vector<1x1x1x128x128xf32>,
    %swap3A_117 = arith.constant 0 : index
    %swap3A_118 = arith.constant 17 : index
    %swap3A_119 = arith.constant 1 : index
    %swap3A_120 = arith.constant 0 : index
    %swap3A_121 = arith.constant 0 : index
    %swap3A_122 = vector.load %arg8[%swap3A_117, %swap3A_118, %swap3A_119, %swap3A_120, %swap3A_121] : memref<1x18x3x128x128xf32, #tpu.memory_space<vmem>>, vector<1x1x1x128x128xf32>
    %swap3A_123 = vector.shape_cast %swap3A_122 : vector<1x1x1x128x128xf32> to vector<128x128xf32>
    %swap3A_124 = vector.shape_cast %broadcast_in_dim3A_82 : vector<128x128xf32> to vector<1x1x1x128x128xf32>
    tpu.vector_store %arg8[%swap3A_117, %swap3A_118, %swap3A_119, %swap3A_120, %swap3A_121], %swap3A_124 {strides = array<i32>} : memref<1x18x3x128x128xf32, #tpu.memory_space<vmem>>, vector<1x1x1x128x128xf32>,
    %swap3A_125 = arith.constant 0 : index
    %swap3A_126 = arith.constant 17 : index
    %swap3A_127 = arith.constant 2 : index
    %swap3A_128 = arith.constant 0 : index
    %swap3A_129 = arith.constant 0 : index
    %swap3A_130 = vector.load %arg8[%swap3A_125, %swap3A_126, %swap3A_127, %swap3A_128, %swap3A_129] : memref<1x18x3x128x128xf32, #tpu.memory_space<vmem>>, vector<1x1x1x128x128xf32>
    %swap3A_131 = vector.shape_cast %swap3A_130 : vector<1x1x1x128x128xf32> to vector<128x128xf32>
    %swap3A_132 = vector.shape_cast %broadcast_in_dim3A_84 : vector<128x128xf32> to vector<1x1x1x128x128xf32>
    tpu.vector_store %arg8[%swap3A_125, %swap3A_126, %swap3A_127, %swap3A_128, %swap3A_129], %swap3A_132 {strides = array<i32>} : memref<1x18x3x128x128xf32, #tpu.memory_space<vmem>>, vector<1x1x1x128x128xf32>,
    %get3A_133 = arith.constant 0 : index
    %get3A_134 = arith.constant 0 : index
    %get3A_135 = arith.constant 0 : index
    %get3A_136 = vector.load %arg6[%get3A_133, %get3A_134, %get3A_135] : memref<1x16x128xf32, #tpu.memory_space<vmem>>, vector<1x16x128xf32>
    %get3A_137 = vector.shape_cast %get3A_136 : vector<1x16x128xf32> to vector<16x128xf32>
    %get3A_138 = arith.constant 0 : index
    %get3A_139 = arith.constant 0 : index
    %get3A_140 = arith.constant 0 : index
    %get3A_141 = vector.load %arg7[%get3A_138, %get3A_139, %get3A_140] : memref<1x18x128xf32, #tpu.memory_space<vmem>>, vector<1x18x128xf32>
    %get3A_142 = vector.shape_cast %get3A_141 : vector<1x18x128xf32> to vector<18x128xf32>
    %dot_general3A = arith.constant dense<0.000000e+00> : vector<16x18xf32>
    %dot_general3A_143 = tpu.matmul %get3A_137, %get3A_142, %dot_general3A {dimension_numbers = #tpu.dot_dimension_numbers<[1], [1], [0], [0], [0, 0, 1, 0], [], []>, transpose_lhs_hint = false} : vector<16x128xf32>, vector<18x128xf32>, vector<16x18xf32> -> vector<16x18xf32>
    %mul3A = arith.constant 0.0883883461 : f32
    %mul3A_144 = vector.broadcast %mul3A : f32 to vector<16x18xf32>
    %mul3A_145 = arith.mulf %dot_general3A_143, %mul3A_144 : vector<16x18xf32>
    %iota3A = tpu.iota {dimensions = array<i32: 0>} : vector<16x18xi32>
    %iota3A_146 = tpu.iota {dimensions = array<i32: 1>} : vector<16x18xi32>
    %ge3A_147 = arith.constant 2 : i32
    %ge3A_148 = vector.broadcast %ge3A_147 : i32 to vector<16x18xi32>
    %ge3A_149 = arith.cmpi sge, %iota3A_146, %ge3A_148 : vector<16x18xi32>
    %sub3A = arith.constant 2 : i32
    %sub3A_150 = vector.broadcast %sub3A : i32 to vector<16x18xi32>
    %sub3A_151 = arith.subi %iota3A_146, %sub3A_150 : vector<16x18xi32>
    %ge3A_152 = arith.cmpi sge, %sub3A_151, %iota3A : vector<16x18xi32>
    %and3A_153 = arith.andi %ge3A_149, %ge3A_152 : vector<16x18xi1>
    %jit3A_154 = arith.constant -3.40282347E+38 : f32
    %broadcast_in_dim3A_155 = vector.broadcast %jit3A_154 : f32 to vector<16x18xf32>
    %select_n3A_156 = arith.select %and3A_153, %broadcast_in_dim3A_155, %mul3A_145 : vector<16x18xi1>, vector<16x18xf32>
    %reduce_max3A = arith.constant dense<0xFF800000> : vector<16xf32>
    %reduce_max3A_157 = vector.multi_reduction <maximumf>, %select_n3A_156, %reduce_max3A [1] : vector<16x18xf32> to vector<16xf32>
    %broadcast_in_dim3A_158 = vector.shape_cast %reduce_max3A_157 : vector<16xf32> to vector<16x1xf32>
    %sub3A_159 = vector.broadcast %broadcast_in_dim3A_158 : vector<16x1xf32> to vector<16x18xf32>
    %sub3A_160 = arith.subf %select_n3A_156, %sub3A_159 : vector<16x18xf32>
    %exp3A = math.exp %sub3A_160 : vector<16x18xf32>
    %reduce_sum3A = arith.constant dense<0.000000e+00> : vector<16xf32>
    %reduce_sum3A_161 = vector.multi_reduction <add>, %exp3A, %reduce_sum3A [1] : vector<16x18xf32> to vector<16xf32>
    %broadcast_in_dim3A_162 = vector.shape_cast %reduce_sum3A_161 : vector<16xf32> to vector<16x1xf32>
    %div3A = vector.broadcast %broadcast_in_dim3A_162 : vector<16x1xf32> to vector<16x18xf32>
    %div3A_163 = arith.divf %exp3A, %div3A : vector<16x18xf32>
    %reduce_max3A_164 = arith.constant dense<0xFF800000> : vector<16xf32>
    %reduce_max3A_165 = vector.multi_reduction <maximumf>, %div3A_163, %reduce_max3A_164 [1] : vector<16x18xf32> to vector<16xf32>
    %broadcast_in_dim3A_166 = vector.shape_cast %reduce_max3A_165 : vector<16xf32> to vector<16x1xf32>
    %ge3A_167 = vector.broadcast %broadcast_in_dim3A_166 : vector<16x1xf32> to vector<16x18xf32>
    %ge3A_168 = arith.cmpf oge, %div3A_163, %ge3A_167 : vector<16x18xf32>
    %jit3A_169 = arith.constant 18 : i32
    %broadcast_in_dim3A_170 = vector.broadcast %jit3A_169 : i32 to vector<16x18xi32>
    %select_n3A_171 = arith.select %ge3A_168, %iota3A_146, %broadcast_in_dim3A_170 : vector<16x18xi1>, vector<16x18xi32>
    %reduce_min3A = arith.constant dense<2147483647> : vector<16xi32>
    %reduce_min3A_172 = vector.multi_reduction <minsi>, %select_n3A_171, %reduce_min3A [1] : vector<16x18xi32> to vector<16xi32>
    %broadcast_in_dim3A_173 = vector.shape_cast %reduce_min3A_172 : vector<16xi32> to vector<16x1xi32>
    %eq3A_174 = vector.broadcast %broadcast_in_dim3A_173 : vector<16x1xi32> to vector<16x18xi32>
    %eq3A_175 = arith.cmpi eq, %iota3A_146, %eq3A_174 : vector<16x18xi32>
    %jit3A_176 = arith.constant 0xFF800000 : f32
    %broadcast_in_dim3A_177 = vector.broadcast %jit3A_176 : f32 to vector<16x18xf32>
    %select_n3A_178 = arith.select %eq3A_175, %broadcast_in_dim3A_177, %select_n3A_156 : vector<16x18xi1>, vector<16x18xf32>
    %reduce_max3A_179 = arith.constant dense<0xFF800000> : vector<16xf32>
    %reduce_max3A_180 = vector.multi_reduction <maximumf>, %select_n3A_178, %reduce_max3A_179 [1] : vector<16x18xf32> to vector<16xf32>
    %broadcast_in_dim3A_181 = vector.shape_cast %reduce_max3A_180 : vector<16xf32> to vector<16x1xf32>
    %sub3A_182 = vector.broadcast %broadcast_in_dim3A_181 : vector<16x1xf32> to vector<16x18xf32>
    %sub3A_183 = arith.subf %select_n3A_178, %sub3A_182 : vector<16x18xf32>
    %exp3A_184 = math.exp %sub3A_183 : vector<16x18xf32>
    %reduce_sum3A_185 = arith.constant dense<0.000000e+00> : vector<16xf32>
    %reduce_sum3A_186 = vector.multi_reduction <add>, %exp3A_184, %reduce_sum3A_185 [1] : vector<16x18xf32> to vector<16xf32>
    %broadcast_in_dim3A_187 = vector.shape_cast %reduce_sum3A_186 : vector<16xf32> to vector<16x1xf32>
    %div3A_188 = vector.broadcast %broadcast_in_dim3A_187 : vector<16x1xf32> to vector<16x18xf32>
    %div3A_189 = arith.divf %exp3A_184, %div3A_188 : vector<16x18xf32>
    %reduce_max3A_190 = arith.constant dense<0xFF800000> : vector<16xf32>
    %reduce_max3A_191 = vector.multi_reduction <maximumf>, %div3A_189, %reduce_max3A_190 [1] : vector<16x18xf32> to vector<16xf32>
    %broadcast_in_dim3A_192 = vector.shape_cast %reduce_max3A_191 : vector<16xf32> to vector<16x1xf32>
    %ge3A_193 = vector.broadcast %broadcast_in_dim3A_192 : vector<16x1xf32> to vector<16x18xf32>
    %ge3A_194 = arith.cmpf oge, %div3A_189, %ge3A_193 : vector<16x18xf32>
    %jit3A_195 = arith.constant 18 : i32
    %broadcast_in_dim3A_196 = vector.broadcast %jit3A_195 : i32 to vector<16x18xi32>
    %select_n3A_197 = arith.select %ge3A_194, %iota3A_146, %broadcast_in_dim3A_196 : vector<16x18xi1>, vector<16x18xi32>
    %reduce_min3A_198 = arith.constant dense<2147483647> : vector<16xi32>
    %reduce_min3A_199 = vector.multi_reduction <minsi>, %select_n3A_197, %reduce_min3A_198 [1] : vector<16x18xi32> to vector<16xi32>
    %iota3A_200 = tpu.iota {dimensions = array<i32: 1>} : vector<16x128xi32>
    %ge3A_201 = arith.constant 2 : i32
    %ge3A_202 = vector.broadcast %ge3A_201 : i32 to vector<16xi32>
    %ge3A_203 = arith.cmpi sge, %reduce_min3A_172, %ge3A_202 : vector<16xi32>
    %sub3A_204 = arith.constant 2 : i32
    %sub3A_205 = vector.broadcast %sub3A_204 : i32 to vector<16xi32>
    %sub3A_206 = arith.subi %reduce_min3A_172, %sub3A_205 : vector<16xi32>
    %add3A_207 = arith.constant 16 : i32
    %add3A_208 = vector.broadcast %add3A_207 : i32 to vector<16xi32>
    %add3A_209 = arith.addi %reduce_min3A_172, %add3A_208 : vector<16xi32>
    %select_n3A_210 = arith.select %ge3A_203, %sub3A_206, %add3A_209 : vector<16xi1>, vector<16xi32>
    %ge3A_211 = arith.constant 2 : i32
    %ge3A_212 = vector.broadcast %ge3A_211 : i32 to vector<16xi32>
    %ge3A_213 = arith.cmpi sge, %reduce_min3A_199, %ge3A_212 : vector<16xi32>
    %sub3A_214 = arith.constant 2 : i32
    %sub3A_215 = vector.broadcast %sub3A_214 : i32 to vector<16xi32>
    %sub3A_216 = arith.subi %reduce_min3A_199, %sub3A_215 : vector<16xi32>
    %add3A_217 = arith.constant 16 : i32
    %add3A_218 = vector.broadcast %add3A_217 : i32 to vector<16xi32>
    %add3A_219 = arith.addi %reduce_min3A_199, %add3A_218 : vector<16xi32>
    %select_n3A_220 = arith.select %ge3A_213, %sub3A_216, %add3A_219 : vector<16xi1>, vector<16xi32>
    %eq3A_221 = arith.constant 0 : i32
    %eq3A_222 = vector.broadcast %eq3A_221 : i32 to vector<16x128xi32>
    %eq3A_223 = arith.cmpi eq, %iota3A_200, %eq3A_222 : vector<16x128xi32>
    %broadcast_in_dim3A_224 = vector.shape_cast %select_n3A_210 : vector<16xi32> to vector<16x1xi32>
    %eq3A_225 = arith.constant 1 : i32
    %eq3A_226 = vector.broadcast %eq3A_225 : i32 to vector<16x128xi32>
    %eq3A_227 = arith.cmpi eq, %iota3A_200, %eq3A_226 : vector<16x128xi32>
    %broadcast_in_dim3A_228 = vector.shape_cast %select_n3A_220 : vector<16xi32> to vector<16x1xi32>
    %jit3A_229 = arith.constant 0 : i32
    %broadcast_in_dim3A_230 = vector.shape_cast %broadcast_in_dim3A_228 : vector<16x1xi32> to vector<16x1xi32>
    %broadcast_in_dim3A_231 = vector.broadcast %broadcast_in_dim3A_230 : vector<16x1xi32> to vector<16x128xi32>
    %broadcast_in_dim3A_232 = vector.broadcast %jit3A_229 : i32 to vector<16x128xi32>
    %select_n3A_233 = arith.select %eq3A_227, %broadcast_in_dim3A_231, %broadcast_in_dim3A_232 : vector<16x128xi1>, vector<16x128xi32>
    %broadcast_in_dim3A_234 = vector.shape_cast %broadcast_in_dim3A_224 : vector<16x1xi32> to vector<16x1xi32>
    %broadcast_in_dim3A_235 = vector.broadcast %broadcast_in_dim3A_234 : vector<16x1xi32> to vector<16x128xi32>
    %select_n3A_236 = arith.select %eq3A_223, %broadcast_in_dim3A_235, %select_n3A_233 : vector<16x128xi1>, vector<16x128xi32>
    %swap3A_237 = arith.constant 0 : index
    %swap3A_238 = arith.constant 0 : index
    %swap3A_239 = arith.constant 0 : index
    %swap3A_240 = vector.load %arg9[%swap3A_237, %swap3A_238, %swap3A_239] : memref<1x16x128xi32, #tpu.memory_space<vmem>>, vector<1x16x128xi32>
    %swap3A_241 = vector.shape_cast %swap3A_240 : vector<1x16x128xi32> to vector<16x128xi32>
    %swap3A_242 = vector.shape_cast %select_n3A_236 : vector<16x128xi32> to vector<1x16x128xi32>
    tpu.vector_store %arg9[%swap3A_237, %swap3A_238, %swap3A_239], %swap3A_242 {strides = array<i32>} : memref<1x16x128xi32, #tpu.memory_space<vmem>>, vector<1x16x128xi32>,
    %eq3A_243 = arith.constant 0 : i32
    %eq3A_244 = vector.broadcast %eq3A_243 : i32 to vector<16x128xi32>
    %eq3A_245 = arith.cmpi eq, %iota3A_200, %eq3A_244 : vector<16x128xi32>
    %broadcast_in_dim3A_246 = vector.shape_cast %reduce_max3A_165 : vector<16xf32> to vector<16x1xf32>
    %eq3A_247 = arith.constant 1 : i32
    %eq3A_248 = vector.broadcast %eq3A_247 : i32 to vector<16x128xi32>
    %eq3A_249 = arith.cmpi eq, %iota3A_200, %eq3A_248 : vector<16x128xi32>
    %broadcast_in_dim3A_250 = vector.shape_cast %reduce_max3A_191 : vector<16xf32> to vector<16x1xf32>
    %jit3A_251 = arith.constant 0.000000e+00 : f32
    %broadcast_in_dim3A_252 = vector.shape_cast %broadcast_in_dim3A_250 : vector<16x1xf32> to vector<16x1xf32>
    %broadcast_in_dim3A_253 = vector.broadcast %broadcast_in_dim3A_252 : vector<16x1xf32> to vector<16x128xf32>
    %broadcast_in_dim3A_254 = vector.broadcast %jit3A_251 : f32 to vector<16x128xf32>
    %select_n3A_255 = arith.select %eq3A_249, %broadcast_in_dim3A_253, %broadcast_in_dim3A_254 : vector<16x128xi1>, vector<16x128xf32>
    %broadcast_in_dim3A_256 = vector.shape_cast %broadcast_in_dim3A_246 : vector<16x1xf32> to vector<16x1xf32>
    %broadcast_in_dim3A_257 = vector.broadcast %broadcast_in_dim3A_256 : vector<16x1xf32> to vector<16x128xf32>
    %select_n3A_258 = arith.select %eq3A_245, %broadcast_in_dim3A_257, %select_n3A_255 : vector<16x128xi1>, vector<16x128xf32>
    %swap3A_259 = arith.constant 0 : index
    %swap3A_260 = arith.constant 0 : index
    %swap3A_261 = arith.constant 0 : index
    %swap3A_262 = vector.load %arg10[%swap3A_259, %swap3A_260, %swap3A_261] : memref<1x16x128xf32, #tpu.memory_space<vmem>>, vector<1x16x128xf32>
    %swap3A_263 = vector.shape_cast %swap3A_262 : vector<1x16x128xf32> to vector<16x128xf32>
    %swap3A_264 = vector.shape_cast %select_n3A_258 : vector<16x128xf32> to vector<1x16x128xf32>
    tpu.vector_store %arg10[%swap3A_259, %swap3A_260, %swap3A_261], %swap3A_264 {strides = array<i32>} : memref<1x16x128xf32, #tpu.memory_space<vmem>>, vector<1x16x128xf32>,
    return
  }
  func.func @transform_0(%arg0: i32) -> (i32, i32, i32) {
    %c0_i32 = arith.constant 0 : i32
    %c0_i32_0 = arith.constant 0 : i32
    %c0_i32_1 = arith.constant 0 : i32
    return %arg0, %c0_i32, %c0_i32_0 : i32, i32, i32
  }
  func.func @transform_1(%arg0: i32) -> (i32, i32, i32) {
    %c0_i32 = arith.constant 0 : i32
    %c0_i32_0 = arith.constant 0 : i32
    %c0_i32_1 = arith.constant 0 : i32
    return %arg0, %c0_i32, %c0_i32_0 : i32, i32, i32
  }
  func.func @transform_2(%arg0: i32) -> (i32, i32, i32) {
    %c0_i32 = arith.constant 0 : i32
    %c0_i32_0 = arith.constant 0 : i32
    %c0_i32_1 = arith.constant 0 : i32
    return %arg0, %c0_i32, %c0_i32_0 : i32, i32, i32
  }
  func.func @transform_3(%arg0: i32) -> (i32, i32, i32) {
    %jit3A = arith.constant 16 : i32
    %eq3A = arith.constant 0 : i32
    %eq3A_0 = arith.cmpi eq, %jit3A, %eq3A : i32
    %jit3A_1 = arith.constant 1 : i32
    %select_n3A = arith.select %eq3A_0, %jit3A_1, %jit3A : i32
    %rem3A = arith.remsi %arg0, %select_n3A : i32
    %ne3A = arith.constant 0 : i32
    %ne3A_2 = arith.cmpi ne, %rem3A, %ne3A : i32
    %lt3A = arith.constant 0 : i32
    %lt3A_3 = arith.cmpi slt, %rem3A, %lt3A : i32
    %lt3A_4 = arith.constant 0 : i32
    %lt3A_5 = arith.cmpi slt, %select_n3A, %lt3A_4 : i32
    %ne3A_6 = arith.xori %lt3A_3, %lt3A_5 : i1
    %and3A = arith.andi %ne3A_6, %ne3A_2 : i1
    %add3A = arith.addi %rem3A, %select_n3A : i32
    %select_n3A_7 = arith.select %and3A, %add3A, %rem3A : i32
    %c0_i32 = arith.constant 0 : i32
    %c0_i32_8 = arith.constant 0 : i32
    %c0_i32_9 = arith.constant 0 : i32
    return %select_n3A_7, %c0_i32, %c0_i32_8 : i32, i32, i32
  }
  func.func @transform_4(%arg0: i32) -> (i32, i32, i32) {
    %jit3A = arith.constant 16 : i32
    %eq3A = arith.constant 0 : i32
    %eq3A_0 = arith.cmpi eq, %jit3A, %eq3A : i32
    %jit3A_1 = arith.constant 1 : i32
    %select_n3A = arith.select %eq3A_0, %jit3A_1, %jit3A : i32
    %rem3A = arith.remsi %arg0, %select_n3A : i32
    %ne3A = arith.constant 0 : i32
    %ne3A_2 = arith.cmpi ne, %rem3A, %ne3A : i32
    %lt3A = arith.constant 0 : i32
    %lt3A_3 = arith.cmpi slt, %rem3A, %lt3A : i32
    %lt3A_4 = arith.constant 0 : i32
    %lt3A_5 = arith.cmpi slt, %select_n3A, %lt3A_4 : i32
    %ne3A_6 = arith.xori %lt3A_3, %lt3A_5 : i1
    %and3A = arith.andi %ne3A_6, %ne3A_2 : i1
    %add3A = arith.addi %rem3A, %select_n3A : i32
    %select_n3A_7 = arith.select %and3A, %add3A, %rem3A : i32
    %c0_i32 = arith.constant 0 : i32
    %c0_i32_8 = arith.constant 0 : i32
    %c0_i32_9 = arith.constant 0 : i32
    return %select_n3A_7, %c0_i32, %c0_i32_8 : i32, i32, i32
  }
  func.func @transform_5(%arg0: i32) -> (i32, i32, i32) {
    %c0_i32 = arith.constant 0 : i32
    %c0_i32_0 = arith.constant 0 : i32
    %c0_i32_1 = arith.constant 0 : i32
    return %arg0, %c0_i32, %c0_i32_0 : i32, i32, i32
  }
  func.func @transform_6(%arg0: i32) -> (i32, i32, i32) {
    %c0_i32 = arith.constant 0 : i32
    %c0_i32_0 = arith.constant 0 : i32
    %c0_i32_1 = arith.constant 0 : i32
    return %arg0, %c0_i32, %c0_i32_0 : i32, i32, i32
  }
  func.func @transform_7(%arg0: i32) -> (i32, i32, i32, i32, i32) {
    %c0_i32 = arith.constant 0 : i32
    %c0_i32_0 = arith.constant 0 : i32
    %c0_i32_1 = arith.constant 0 : i32
    %c0_i32_2 = arith.constant 0 : i32
    %c0_i32_3 = arith.constant 0 : i32
    return %arg0, %c0_i32, %c0_i32_0, %c0_i32_1, %c0_i32_2 : i32, i32, i32, i32, i32
  }
  func.func @transform_8(%arg0: i32) -> (i32, i32, i32) {
    %c0_i32 = arith.constant 0 : i32
    %c0_i32_0 = arith.constant 0 : i32
    %c0_i32_1 = arith.constant 0 : i32
    return %arg0, %c0_i32, %c0_i32_0 : i32, i32, i32
  }
  func.func @transform_9(%arg0: i32) -> (i32, i32, i32) {
    %c0_i32 = arith.constant 0 : i32
    %c0_i32_0 = arith.constant 0 : i32
    %c0_i32_1 = arith.constant 0 : i32
    return %arg0, %c0_i32, %c0_i32_0 : i32, i32, i32
  }
}

module attributes {stable_mosaic.version = 14 : i64} {
  func.func @_attn_body(%arg0: i32, %arg1: i32, %arg2: memref<32x16x2xi32, #tpu.memory_space<smem>>, %arg3: memref<32x16x2xf32, #tpu.memory_space<smem>>, %arg4: memref<1x8x3x128x128xf32, #tpu.memory_space<vmem>>, %arg5: memref<1x1x2x128x128xf32, #tpu.memory_space<vmem>>, %arg6: memref<1x1x2x128x128xf32, #tpu.memory_space<vmem>>, %arg7: memref<1x1x2x128x128xf32, #tpu.memory_space<vmem>>, %arg8: memref<1x1x2x128x128xf32, #tpu.memory_space<vmem>>, %arg9: memref<1x1x2x128x128xf32, #tpu.memory_space<vmem>>, %arg10: memref<1x1x2x128x128xf32, #tpu.memory_space<vmem>>, %arg11: memref<1x1x2x128x128xf32, #tpu.memory_space<vmem>>, %arg12: memref<1x1x2x128x128xf32, #tpu.memory_space<vmem>>, %arg13: memref<1x1x2x128x128xf32, #tpu.memory_space<vmem>>, %arg14: memref<1x1x2x128x128xf32, #tpu.memory_space<vmem>>, %arg15: memref<1x1x2x128x128xf32, #tpu.memory_space<vmem>>, %arg16: memref<1x1x2x128x128xf32, #tpu.memory_space<vmem>>, %arg17: memref<1x1x2x128x128xf32, #tpu.memory_space<vmem>>, %arg18: memref<1x1x2x128x128xf32, #tpu.memory_space<vmem>>, %arg19: memref<1x1x2x128x128xf32, #tpu.memory_space<vmem>>, %arg20: memref<1x1x2x128x128xf32, #tpu.memory_space<vmem>>, %arg21: memref<1x1024x128xf32, #tpu.memory_space<vmem>>) attributes {dimension_semantics = [#tpu.dimension_semantics<arbitrary>, #tpu.dimension_semantics<arbitrary>], iteration_bounds = array<i64: 32, 2>, scalar_prefetch = 2 : i64, scratch_operands = 0 : i64, tpu.core_type = #tpu.core_type<tc>, window_params = [{transform_indices = @transform_0, window_bounds = array<i64: 1, 8, 3, 128, 128>}, {transform_indices = @transform_1, window_bounds = array<i64: 1, 1, 2, 128, 128>}, {transform_indices = @transform_2, window_bounds = array<i64: 1, 1, 2, 128, 128>}, {transform_indices = @transform_3, window_bounds = array<i64: 1, 1, 2, 128, 128>}, {transform_indices = @transform_4, window_bounds = array<i64: 1, 1, 2, 128, 128>}, {transform_indices = @transform_5, window_bounds = array<i64: 1, 1, 2, 128, 128>}, {transform_indices = @transform_6, window_bounds = array<i64: 1, 1, 2, 128, 128>}, {transform_indices = @transform_7, window_bounds = array<i64: 1, 1, 2, 128, 128>}, {transform_indices = @transform_8, window_bounds = array<i64: 1, 1, 2, 128, 128>}, {transform_indices = @transform_9, window_bounds = array<i64: 1, 1, 2, 128, 128>}, {transform_indices = @transform_10, window_bounds = array<i64: 1, 1, 2, 128, 128>}, {transform_indices = @transform_11, window_bounds = array<i64: 1, 1, 2, 128, 128>}, {transform_indices = @transform_12, window_bounds = array<i64: 1, 1, 2, 128, 128>}, {transform_indices = @transform_13, window_bounds = array<i64: 1, 1, 2, 128, 128>}, {transform_indices = @transform_14, window_bounds = array<i64: 1, 1, 2, 128, 128>}, {transform_indices = @transform_15, window_bounds = array<i64: 1, 1, 2, 128, 128>}, {transform_indices = @transform_16, window_bounds = array<i64: 1, 1, 2, 128, 128>}, {transform_indices = @transform_17, window_bounds = array<i64: 1, 1024, 128>}]} {
    %iota3A = tpu.iota {dimensions = array<i32: 0>} : vector<128x128xi32>
    %iota3A_0 = tpu.iota {dimensions = array<i32: 1>} : vector<128x128xi32>
    %gt3A = arith.cmpi sgt, %iota3A_0, %iota3A : vector<128x128xi32>
    %mul3A = arith.constant 8 : i32
    %mul3A_1 = arith.muli %arg1, %mul3A : i32
    %add3A = arith.constant 0 : i32
    %add3A_2 = arith.addi %mul3A_1, %add3A : i32
    %get3A = arith.index_cast %arg0 : i32 to index
    %get3A_3 = arith.index_cast %add3A_2 : i32 to index
    %get3A_4 = arith.constant 0 : index
    %get3A_5 = memref.load %arg3[%get3A, %get3A_3, %get3A_4] : memref<32x16x2xf32, #tpu.memory_space<smem>>
    %get3A_6 = arith.index_cast %arg0 : i32 to index
    %get3A_7 = arith.index_cast %add3A_2 : i32 to index
    %get3A_8 = arith.constant 1 : index
    %get3A_9 = memref.load %arg3[%get3A_6, %get3A_7, %get3A_8] : memref<32x16x2xf32, #tpu.memory_space<smem>>
    %get3A_10 = arith.constant 0 : index
    %get3A_11 = arith.constant 0 : index
    %get3A_12 = arith.constant 0 : index
    %get3A_13 = arith.constant 0 : index
    %get3A_14 = arith.constant 0 : index
    %get3A_15 = vector.load %arg4[%get3A_10, %get3A_11, %get3A_12, %get3A_13, %get3A_14] : memref<1x8x3x128x128xf32, #tpu.memory_space<vmem>>, vector<1x1x1x128x128xf32>
    %get3A_16 = vector.shape_cast %get3A_15 : vector<1x1x1x128x128xf32> to vector<128x128xf32>
    %get3A_17 = arith.constant 0 : index
    %get3A_18 = arith.constant 0 : index
    %get3A_19 = arith.constant 1 : index
    %get3A_20 = arith.constant 0 : index
    %get3A_21 = arith.constant 0 : index
    %get3A_22 = vector.load %arg4[%get3A_17, %get3A_18, %get3A_19, %get3A_20, %get3A_21] : memref<1x8x3x128x128xf32, #tpu.memory_space<vmem>>, vector<1x1x1x128x128xf32>
    %get3A_23 = vector.shape_cast %get3A_22 : vector<1x1x1x128x128xf32> to vector<128x128xf32>
    %get3A_24 = arith.constant 0 : index
    %get3A_25 = arith.constant 0 : index
    %get3A_26 = arith.constant 2 : index
    %get3A_27 = arith.constant 0 : index
    %get3A_28 = arith.constant 0 : index
    %get3A_29 = vector.load %arg4[%get3A_24, %get3A_25, %get3A_26, %get3A_27, %get3A_28] : memref<1x8x3x128x128xf32, #tpu.memory_space<vmem>>, vector<1x1x1x128x128xf32>
    %get3A_30 = vector.shape_cast %get3A_29 : vector<1x1x1x128x128xf32> to vector<128x128xf32>
    %get3A_31 = arith.constant 0 : index
    %get3A_32 = arith.constant 0 : index
    %get3A_33 = arith.constant 0 : index
    %get3A_34 = arith.constant 0 : index
    %get3A_35 = arith.constant 0 : index
    %get3A_36 = vector.load %arg5[%get3A_31, %get3A_32, %get3A_33, %get3A_34, %get3A_35] : memref<1x1x2x128x128xf32, #tpu.memory_space<vmem>>, vector<1x1x1x128x128xf32>
    %get3A_37 = vector.shape_cast %get3A_36 : vector<1x1x1x128x128xf32> to vector<128x128xf32>
    %dot_general3A = arith.constant dense<0.000000e+00> : vector<128x128xf32>
    %dot_general3A_38 = tpu.matmul %get3A_30, %get3A_37, %dot_general3A {dimension_numbers = #tpu.dot_dimension_numbers<[1], [1], [0], [0], [0, 0, 1, 0], [], []>, transpose_lhs_hint = false} : vector<128x128xf32>, vector<128x128xf32>, vector<128x128xf32> -> vector<128x128xf32>
    %mul3A_39 = arith.constant 0.0883883461 : f32
    %mul3A_40 = arith.mulf %get3A_5, %mul3A_39 : f32
    %mul3A_41 = vector.broadcast %mul3A_40 : f32 to vector<128x128xf32>
    %mul3A_42 = arith.mulf %dot_general3A_38, %mul3A_41 : vector<128x128xf32>
    %get3A_43 = arith.constant 0 : index
    %get3A_44 = arith.constant 0 : index
    %get3A_45 = arith.constant 0 : index
    %get3A_46 = arith.constant 0 : index
    %get3A_47 = arith.constant 0 : index
    %get3A_48 = vector.load %arg6[%get3A_43, %get3A_44, %get3A_45, %get3A_46, %get3A_47] : memref<1x1x2x128x128xf32, #tpu.memory_space<vmem>>, vector<1x1x1x128x128xf32>
    %get3A_49 = vector.shape_cast %get3A_48 : vector<1x1x1x128x128xf32> to vector<128x128xf32>
    %dot_general3A_50 = arith.constant dense<0.000000e+00> : vector<128x128xf32>
    %dot_general3A_51 = tpu.matmul %get3A_30, %get3A_49, %dot_general3A_50 {dimension_numbers = #tpu.dot_dimension_numbers<[1], [1], [0], [0], [0, 0, 1, 0], [], []>, transpose_lhs_hint = false} : vector<128x128xf32>, vector<128x128xf32>, vector<128x128xf32> -> vector<128x128xf32>
    %mul3A_52 = arith.constant 0.0883883461 : f32
    %mul3A_53 = arith.mulf %get3A_9, %mul3A_52 : f32
    %mul3A_54 = vector.broadcast %mul3A_53 : f32 to vector<128x128xf32>
    %mul3A_55 = arith.mulf %dot_general3A_51, %mul3A_54 : vector<128x128xf32>
    %dot_general3A_56 = arith.constant dense<0.000000e+00> : vector<128x128xf32>
    %dot_general3A_57 = tpu.matmul %get3A_30, %get3A_16, %dot_general3A_56 {dimension_numbers = #tpu.dot_dimension_numbers<[1], [1], [0], [0], [0, 0, 1, 0], [], []>, transpose_lhs_hint = false} : vector<128x128xf32>, vector<128x128xf32>, vector<128x128xf32> -> vector<128x128xf32>
    %mul3A_58 = arith.constant 0.0883883461 : f32
    %mul3A_59 = vector.broadcast %mul3A_58 : f32 to vector<128x128xf32>
    %mul3A_60 = arith.mulf %dot_general3A_57, %mul3A_59 : vector<128x128xf32>
    %jit3A = arith.constant -3.40282347E+38 : f32
    %broadcast_in_dim3A = vector.broadcast %jit3A : f32 to vector<128x128xf32>
    %select_n3A = arith.select %gt3A, %broadcast_in_dim3A, %mul3A_60 : vector<128x128xi1>, vector<128x128xf32>
    %exp3A = math.exp %mul3A_42 : vector<128x128xf32>
    %exp3A_61 = math.exp %mul3A_55 : vector<128x128xf32>
    %exp3A_62 = math.exp %select_n3A : vector<128x128xf32>
    %reduce_sum3A = arith.constant dense<0.000000e+00> : vector<128xf32>
    %reduce_sum3A_63 = vector.multi_reduction <add>, %exp3A, %reduce_sum3A [1] : vector<128x128xf32> to vector<128xf32>
    %reduce_sum3A_64 = arith.constant dense<0.000000e+00> : vector<128xf32>
    %reduce_sum3A_65 = vector.multi_reduction <add>, %exp3A_61, %reduce_sum3A_64 [1] : vector<128x128xf32> to vector<128xf32>
    %add3A_66 = arith.addf %reduce_sum3A_63, %reduce_sum3A_65 : vector<128xf32>
    %reduce_sum3A_67 = arith.constant dense<0.000000e+00> : vector<128xf32>
    %reduce_sum3A_68 = vector.multi_reduction <add>, %exp3A_62, %reduce_sum3A_67 [1] : vector<128x128xf32> to vector<128xf32>
    %add3A_69 = arith.addf %add3A_66, %reduce_sum3A_68 : vector<128xf32>
    %broadcast_in_dim3A_70 = vector.shape_cast %add3A_69 : vector<128xf32> to vector<128x1xf32>
    %get3A_71 = arith.constant 0 : index
    %get3A_72 = arith.constant 0 : index
    %get3A_73 = arith.constant 1 : index
    %get3A_74 = arith.constant 0 : index
    %get3A_75 = arith.constant 0 : index
    %get3A_76 = vector.load %arg5[%get3A_71, %get3A_72, %get3A_73, %get3A_74, %get3A_75] : memref<1x1x2x128x128xf32, #tpu.memory_space<vmem>>, vector<1x1x1x128x128xf32>
    %get3A_77 = vector.shape_cast %get3A_76 : vector<1x1x1x128x128xf32> to vector<128x128xf32>
    %dot_general3A_78 = arith.constant dense<0.000000e+00> : vector<128x128xf32>
    %dot_general3A_79 = tpu.matmul %exp3A, %get3A_77, %dot_general3A_78 {dimension_numbers = #tpu.dot_dimension_numbers<[1], [0], [0], [1], [0, 0, 1, 1], [], []>, transpose_lhs_hint = false} : vector<128x128xf32>, vector<128x128xf32>, vector<128x128xf32> -> vector<128x128xf32>
    %mul3A_80 = vector.broadcast %get3A_5 : f32 to vector<128x128xf32>
    %mul3A_81 = arith.mulf %dot_general3A_79, %mul3A_80 : vector<128x128xf32>
    %get3A_82 = arith.constant 0 : index
    %get3A_83 = arith.constant 0 : index
    %get3A_84 = arith.constant 1 : index
    %get3A_85 = arith.constant 0 : index
    %get3A_86 = arith.constant 0 : index
    %get3A_87 = vector.load %arg6[%get3A_82, %get3A_83, %get3A_84, %get3A_85, %get3A_86] : memref<1x1x2x128x128xf32, #tpu.memory_space<vmem>>, vector<1x1x1x128x128xf32>
    %get3A_88 = vector.shape_cast %get3A_87 : vector<1x1x1x128x128xf32> to vector<128x128xf32>
    %dot_general3A_89 = arith.constant dense<0.000000e+00> : vector<128x128xf32>
    %dot_general3A_90 = tpu.matmul %exp3A_61, %get3A_88, %dot_general3A_89 {dimension_numbers = #tpu.dot_dimension_numbers<[1], [0], [0], [1], [0, 0, 1, 1], [], []>, transpose_lhs_hint = false} : vector<128x128xf32>, vector<128x128xf32>, vector<128x128xf32> -> vector<128x128xf32>
    %mul3A_91 = vector.broadcast %get3A_9 : f32 to vector<128x128xf32>
    %mul3A_92 = arith.mulf %dot_general3A_90, %mul3A_91 : vector<128x128xf32>
    %add3A_93 = arith.addf %mul3A_81, %mul3A_92 : vector<128x128xf32>
    %dot_general3A_94 = arith.constant dense<0.000000e+00> : vector<128x128xf32>
    %dot_general3A_95 = tpu.matmul %exp3A_62, %get3A_23, %dot_general3A_94 {dimension_numbers = #tpu.dot_dimension_numbers<[1], [0], [0], [1], [0, 0, 1, 1], [], []>, transpose_lhs_hint = false} : vector<128x128xf32>, vector<128x128xf32>, vector<128x128xf32> -> vector<128x128xf32>
    %add3A_96 = arith.addf %add3A_93, %dot_general3A_95 : vector<128x128xf32>
    %div3A = vector.broadcast %broadcast_in_dim3A_70 : vector<128x1xf32> to vector<128x128xf32>
    %div3A_97 = arith.divf %add3A_96, %div3A : vector<128x128xf32>
    %swap3A = arith.constant 0 : index
    %swap3A_98 = arith.constant 0 : index
    %swap3A_99 = arith.constant 0 : index
    %swap3A_100 = vector.load %arg21[%swap3A, %swap3A_98, %swap3A_99] : memref<1x1024x128xf32, #tpu.memory_space<vmem>>, vector<1x128x128xf32>
    %swap3A_101 = vector.shape_cast %swap3A_100 : vector<1x128x128xf32> to vector<128x128xf32>
    %swap3A_102 = vector.shape_cast %div3A_97 : vector<128x128xf32> to vector<1x128x128xf32>
    tpu.vector_store %arg21[%swap3A, %swap3A_98, %swap3A_99], %swap3A_102 {strides = array<i32>} : memref<1x1024x128xf32, #tpu.memory_space<vmem>>, vector<1x128x128xf32>,
    %mul3A_103 = arith.constant 8 : i32
    %mul3A_104 = arith.muli %arg1, %mul3A_103 : i32
    %add3A_105 = arith.constant 1 : i32
    %add3A_106 = arith.addi %mul3A_104, %add3A_105 : i32
    %get3A_107 = arith.index_cast %arg0 : i32 to index
    %get3A_108 = arith.index_cast %add3A_106 : i32 to index
    %get3A_109 = arith.constant 0 : index
    %get3A_110 = memref.load %arg3[%get3A_107, %get3A_108, %get3A_109] : memref<32x16x2xf32, #tpu.memory_space<smem>>
    %get3A_111 = arith.index_cast %arg0 : i32 to index
    %get3A_112 = arith.index_cast %add3A_106 : i32 to index
    %get3A_113 = arith.constant 1 : index
    %get3A_114 = memref.load %arg3[%get3A_111, %get3A_112, %get3A_113] : memref<32x16x2xf32, #tpu.memory_space<smem>>
    %get3A_115 = arith.constant 0 : index
    %get3A_116 = arith.constant 1 : index
    %get3A_117 = arith.constant 0 : index
    %get3A_118 = arith.constant 0 : index
    %get3A_119 = arith.constant 0 : index
    %get3A_120 = vector.load %arg4[%get3A_115, %get3A_116, %get3A_117, %get3A_118, %get3A_119] : memref<1x8x3x128x128xf32, #tpu.memory_space<vmem>>, vector<1x1x1x128x128xf32>
    %get3A_121 = vector.shape_cast %get3A_120 : vector<1x1x1x128x128xf32> to vector<128x128xf32>
    %get3A_122 = arith.constant 0 : index
    %get3A_123 = arith.constant 1 : index
    %get3A_124 = arith.constant 1 : index
    %get3A_125 = arith.constant 0 : index
    %get3A_126 = arith.constant 0 : index
    %get3A_127 = vector.load %arg4[%get3A_122, %get3A_123, %get3A_124, %get3A_125, %get3A_126] : memref<1x8x3x128x128xf32, #tpu.memory_space<vmem>>, vector<1x1x1x128x128xf32>
    %get3A_128 = vector.shape_cast %get3A_127 : vector<1x1x1x128x128xf32> to vector<128x128xf32>
    %get3A_129 = arith.constant 0 : index
    %get3A_130 = arith.constant 1 : index
    %get3A_131 = arith.constant 2 : index
    %get3A_132 = arith.constant 0 : index
    %get3A_133 = arith.constant 0 : index
    %get3A_134 = vector.load %arg4[%get3A_129, %get3A_130, %get3A_131, %get3A_132, %get3A_133] : memref<1x8x3x128x128xf32, #tpu.memory_space<vmem>>, vector<1x1x1x128x128xf32>
    %get3A_135 = vector.shape_cast %get3A_134 : vector<1x1x1x128x128xf32> to vector<128x128xf32>
    %get3A_136 = arith.constant 0 : index
    %get3A_137 = arith.constant 0 : index
    %get3A_138 = arith.constant 0 : index
    %get3A_139 = arith.constant 0 : index
    %get3A_140 = arith.constant 0 : index
    %get3A_141 = vector.load %arg7[%get3A_136, %get3A_137, %get3A_138, %get3A_139, %get3A_140] : memref<1x1x2x128x128xf32, #tpu.memory_space<vmem>>, vector<1x1x1x128x128xf32>
    %get3A_142 = vector.shape_cast %get3A_141 : vector<1x1x1x128x128xf32> to vector<128x128xf32>
    %dot_general3A_143 = arith.constant dense<0.000000e+00> : vector<128x128xf32>
    %dot_general3A_144 = tpu.matmul %get3A_135, %get3A_142, %dot_general3A_143 {dimension_numbers = #tpu.dot_dimension_numbers<[1], [1], [0], [0], [0, 0, 1, 0], [], []>, transpose_lhs_hint = false} : vector<128x128xf32>, vector<128x128xf32>, vector<128x128xf32> -> vector<128x128xf32>
    %mul3A_145 = arith.constant 0.0883883461 : f32
    %mul3A_146 = arith.mulf %get3A_110, %mul3A_145 : f32
    %mul3A_147 = vector.broadcast %mul3A_146 : f32 to vector<128x128xf32>
    %mul3A_148 = arith.mulf %dot_general3A_144, %mul3A_147 : vector<128x128xf32>
    %get3A_149 = arith.constant 0 : index
    %get3A_150 = arith.constant 0 : index
    %get3A_151 = arith.constant 0 : index
    %get3A_152 = arith.constant 0 : index
    %get3A_153 = arith.constant 0 : index
    %get3A_154 = vector.load %arg8[%get3A_149, %get3A_150, %get3A_151, %get3A_152, %get3A_153] : memref<1x1x2x128x128xf32, #tpu.memory_space<vmem>>, vector<1x1x1x128x128xf32>
    %get3A_155 = vector.shape_cast %get3A_154 : vector<1x1x1x128x128xf32> to vector<128x128xf32>
    %dot_general3A_156 = arith.constant dense<0.000000e+00> : vector<128x128xf32>
    %dot_general3A_157 = tpu.matmul %get3A_135, %get3A_155, %dot_general3A_156 {dimension_numbers = #tpu.dot_dimension_numbers<[1], [1], [0], [0], [0, 0, 1, 0], [], []>, transpose_lhs_hint = false} : vector<128x128xf32>, vector<128x128xf32>, vector<128x128xf32> -> vector<128x128xf32>
    %mul3A_158 = arith.constant 0.0883883461 : f32
    %mul3A_159 = arith.mulf %get3A_114, %mul3A_158 : f32
    %mul3A_160 = vector.broadcast %mul3A_159 : f32 to vector<128x128xf32>
    %mul3A_161 = arith.mulf %dot_general3A_157, %mul3A_160 : vector<128x128xf32>
    %dot_general3A_162 = arith.constant dense<0.000000e+00> : vector<128x128xf32>
    %dot_general3A_163 = tpu.matmul %get3A_135, %get3A_121, %dot_general3A_162 {dimension_numbers = #tpu.dot_dimension_numbers<[1], [1], [0], [0], [0, 0, 1, 0], [], []>, transpose_lhs_hint = false} : vector<128x128xf32>, vector<128x128xf32>, vector<128x128xf32> -> vector<128x128xf32>
    %mul3A_164 = arith.constant 0.0883883461 : f32
    %mul3A_165 = vector.broadcast %mul3A_164 : f32 to vector<128x128xf32>
    %mul3A_166 = arith.mulf %dot_general3A_163, %mul3A_165 : vector<128x128xf32>
    %jit3A_167 = arith.constant -3.40282347E+38 : f32
    %broadcast_in_dim3A_168 = vector.broadcast %jit3A_167 : f32 to vector<128x128xf32>
    %select_n3A_169 = arith.select %gt3A, %broadcast_in_dim3A_168, %mul3A_166 : vector<128x128xi1>, vector<128x128xf32>
    %exp3A_170 = math.exp %mul3A_148 : vector<128x128xf32>
    %exp3A_171 = math.exp %mul3A_161 : vector<128x128xf32>
    %exp3A_172 = math.exp %select_n3A_169 : vector<128x128xf32>
    %reduce_sum3A_173 = arith.constant dense<0.000000e+00> : vector<128xf32>
    %reduce_sum3A_174 = vector.multi_reduction <add>, %exp3A_170, %reduce_sum3A_173 [1] : vector<128x128xf32> to vector<128xf32>
    %reduce_sum3A_175 = arith.constant dense<0.000000e+00> : vector<128xf32>
    %reduce_sum3A_176 = vector.multi_reduction <add>, %exp3A_171, %reduce_sum3A_175 [1] : vector<128x128xf32> to vector<128xf32>
    %add3A_177 = arith.addf %reduce_sum3A_174, %reduce_sum3A_176 : vector<128xf32>
    %reduce_sum3A_178 = arith.constant dense<0.000000e+00> : vector<128xf32>
    %reduce_sum3A_179 = vector.multi_reduction <add>, %exp3A_172, %reduce_sum3A_178 [1] : vector<128x128xf32> to vector<128xf32>
    %add3A_180 = arith.addf %add3A_177, %reduce_sum3A_179 : vector<128xf32>
    %broadcast_in_dim3A_181 = vector.shape_cast %add3A_180 : vector<128xf32> to vector<128x1xf32>
    %get3A_182 = arith.constant 0 : index
    %get3A_183 = arith.constant 0 : index
    %get3A_184 = arith.constant 1 : index
    %get3A_185 = arith.constant 0 : index
    %get3A_186 = arith.constant 0 : index
    %get3A_187 = vector.load %arg7[%get3A_182, %get3A_183, %get3A_184, %get3A_185, %get3A_186] : memref<1x1x2x128x128xf32, #tpu.memory_space<vmem>>, vector<1x1x1x128x128xf32>
    %get3A_188 = vector.shape_cast %get3A_187 : vector<1x1x1x128x128xf32> to vector<128x128xf32>
    %dot_general3A_189 = arith.constant dense<0.000000e+00> : vector<128x128xf32>
    %dot_general3A_190 = tpu.matmul %exp3A_170, %get3A_188, %dot_general3A_189 {dimension_numbers = #tpu.dot_dimension_numbers<[1], [0], [0], [1], [0, 0, 1, 1], [], []>, transpose_lhs_hint = false} : vector<128x128xf32>, vector<128x128xf32>, vector<128x128xf32> -> vector<128x128xf32>
    %mul3A_191 = vector.broadcast %get3A_110 : f32 to vector<128x128xf32>
    %mul3A_192 = arith.mulf %dot_general3A_190, %mul3A_191 : vector<128x128xf32>
    %get3A_193 = arith.constant 0 : index
    %get3A_194 = arith.constant 0 : index
    %get3A_195 = arith.constant 1 : index
    %get3A_196 = arith.constant 0 : index
    %get3A_197 = arith.constant 0 : index
    %get3A_198 = vector.load %arg8[%get3A_193, %get3A_194, %get3A_195, %get3A_196, %get3A_197] : memref<1x1x2x128x128xf32, #tpu.memory_space<vmem>>, vector<1x1x1x128x128xf32>
    %get3A_199 = vector.shape_cast %get3A_198 : vector<1x1x1x128x128xf32> to vector<128x128xf32>
    %dot_general3A_200 = arith.constant dense<0.000000e+00> : vector<128x128xf32>
    %dot_general3A_201 = tpu.matmul %exp3A_171, %get3A_199, %dot_general3A_200 {dimension_numbers = #tpu.dot_dimension_numbers<[1], [0], [0], [1], [0, 0, 1, 1], [], []>, transpose_lhs_hint = false} : vector<128x128xf32>, vector<128x128xf32>, vector<128x128xf32> -> vector<128x128xf32>
    %mul3A_202 = vector.broadcast %get3A_114 : f32 to vector<128x128xf32>
    %mul3A_203 = arith.mulf %dot_general3A_201, %mul3A_202 : vector<128x128xf32>
    %add3A_204 = arith.addf %mul3A_192, %mul3A_203 : vector<128x128xf32>
    %dot_general3A_205 = arith.constant dense<0.000000e+00> : vector<128x128xf32>
    %dot_general3A_206 = tpu.matmul %exp3A_172, %get3A_128, %dot_general3A_205 {dimension_numbers = #tpu.dot_dimension_numbers<[1], [0], [0], [1], [0, 0, 1, 1], [], []>, transpose_lhs_hint = false} : vector<128x128xf32>, vector<128x128xf32>, vector<128x128xf32> -> vector<128x128xf32>
    %add3A_207 = arith.addf %add3A_204, %dot_general3A_206 : vector<128x128xf32>
    %div3A_208 = vector.broadcast %broadcast_in_dim3A_181 : vector<128x1xf32> to vector<128x128xf32>
    %div3A_209 = arith.divf %add3A_207, %div3A_208 : vector<128x128xf32>
    %swap3A_210 = arith.constant 0 : index
    %swap3A_211 = arith.constant 128 : index
    %swap3A_212 = arith.constant 0 : index
    %swap3A_213 = vector.load %arg21[%swap3A_210, %swap3A_211, %swap3A_212] : memref<1x1024x128xf32, #tpu.memory_space<vmem>>, vector<1x128x128xf32>
    %swap3A_214 = vector.shape_cast %swap3A_213 : vector<1x128x128xf32> to vector<128x128xf32>
    %swap3A_215 = vector.shape_cast %div3A_209 : vector<128x128xf32> to vector<1x128x128xf32>
    tpu.vector_store %arg21[%swap3A_210, %swap3A_211, %swap3A_212], %swap3A_215 {strides = array<i32>} : memref<1x1024x128xf32, #tpu.memory_space<vmem>>, vector<1x128x128xf32>,
    %mul3A_216 = arith.constant 8 : i32
    %mul3A_217 = arith.muli %arg1, %mul3A_216 : i32
    %add3A_218 = arith.constant 2 : i32
    %add3A_219 = arith.addi %mul3A_217, %add3A_218 : i32
    %get3A_220 = arith.index_cast %arg0 : i32 to index
    %get3A_221 = arith.index_cast %add3A_219 : i32 to index
    %get3A_222 = arith.constant 0 : index
    %get3A_223 = memref.load %arg3[%get3A_220, %get3A_221, %get3A_222] : memref<32x16x2xf32, #tpu.memory_space<smem>>
    %get3A_224 = arith.index_cast %arg0 : i32 to index
    %get3A_225 = arith.index_cast %add3A_219 : i32 to index
    %get3A_226 = arith.constant 1 : index
    %get3A_227 = memref.load %arg3[%get3A_224, %get3A_225, %get3A_226] : memref<32x16x2xf32, #tpu.memory_space<smem>>
    %get3A_228 = arith.constant 0 : index
    %get3A_229 = arith.constant 2 : index
    %get3A_230 = arith.constant 0 : index
    %get3A_231 = arith.constant 0 : index
    %get3A_232 = arith.constant 0 : index
    %get3A_233 = vector.load %arg4[%get3A_228, %get3A_229, %get3A_230, %get3A_231, %get3A_232] : memref<1x8x3x128x128xf32, #tpu.memory_space<vmem>>, vector<1x1x1x128x128xf32>
    %get3A_234 = vector.shape_cast %get3A_233 : vector<1x1x1x128x128xf32> to vector<128x128xf32>
    %get3A_235 = arith.constant 0 : index
    %get3A_236 = arith.constant 2 : index
    %get3A_237 = arith.constant 1 : index
    %get3A_238 = arith.constant 0 : index
    %get3A_239 = arith.constant 0 : index
    %get3A_240 = vector.load %arg4[%get3A_235, %get3A_236, %get3A_237, %get3A_238, %get3A_239] : memref<1x8x3x128x128xf32, #tpu.memory_space<vmem>>, vector<1x1x1x128x128xf32>
    %get3A_241 = vector.shape_cast %get3A_240 : vector<1x1x1x128x128xf32> to vector<128x128xf32>
    %get3A_242 = arith.constant 0 : index
    %get3A_243 = arith.constant 2 : index
    %get3A_244 = arith.constant 2 : index
    %get3A_245 = arith.constant 0 : index
    %get3A_246 = arith.constant 0 : index
    %get3A_247 = vector.load %arg4[%get3A_242, %get3A_243, %get3A_244, %get3A_245, %get3A_246] : memref<1x8x3x128x128xf32, #tpu.memory_space<vmem>>, vector<1x1x1x128x128xf32>
    %get3A_248 = vector.shape_cast %get3A_247 : vector<1x1x1x128x128xf32> to vector<128x128xf32>
    %get3A_249 = arith.constant 0 : index
    %get3A_250 = arith.constant 0 : index
    %get3A_251 = arith.constant 0 : index
    %get3A_252 = arith.constant 0 : index
    %get3A_253 = arith.constant 0 : index
    %get3A_254 = vector.load %arg9[%get3A_249, %get3A_250, %get3A_251, %get3A_252, %get3A_253] : memref<1x1x2x128x128xf32, #tpu.memory_space<vmem>>, vector<1x1x1x128x128xf32>
    %get3A_255 = vector.shape_cast %get3A_254 : vector<1x1x1x128x128xf32> to vector<128x128xf32>
    %dot_general3A_256 = arith.constant dense<0.000000e+00> : vector<128x128xf32>
    %dot_general3A_257 = tpu.matmul %get3A_248, %get3A_255, %dot_general3A_256 {dimension_numbers = #tpu.dot_dimension_numbers<[1], [1], [0], [0], [0, 0, 1, 0], [], []>, transpose_lhs_hint = false} : vector<128x128xf32>, vector<128x128xf32>, vector<128x128xf32> -> vector<128x128xf32>
    %mul3A_258 = arith.constant 0.0883883461 : f32
    %mul3A_259 = arith.mulf %get3A_223, %mul3A_258 : f32
    %mul3A_260 = vector.broadcast %mul3A_259 : f32 to vector<128x128xf32>
    %mul3A_261 = arith.mulf %dot_general3A_257, %mul3A_260 : vector<128x128xf32>
    %get3A_262 = arith.constant 0 : index
    %get3A_263 = arith.constant 0 : index
    %get3A_264 = arith.constant 0 : index
    %get3A_265 = arith.constant 0 : index
    %get3A_266 = arith.constant 0 : index
    %get3A_267 = vector.load %arg10[%get3A_262, %get3A_263, %get3A_264, %get3A_265, %get3A_266] : memref<1x1x2x128x128xf32, #tpu.memory_space<vmem>>, vector<1x1x1x128x128xf32>
    %get3A_268 = vector.shape_cast %get3A_267 : vector<1x1x1x128x128xf32> to vector<128x128xf32>
    %dot_general3A_269 = arith.constant dense<0.000000e+00> : vector<128x128xf32>
    %dot_general3A_270 = tpu.matmul %get3A_248, %get3A_268, %dot_general3A_269 {dimension_numbers = #tpu.dot_dimension_numbers<[1], [1], [0], [0], [0, 0, 1, 0], [], []>, transpose_lhs_hint = false} : vector<128x128xf32>, vector<128x128xf32>, vector<128x128xf32> -> vector<128x128xf32>
    %mul3A_271 = arith.constant 0.0883883461 : f32
    %mul3A_272 = arith.mulf %get3A_227, %mul3A_271 : f32
    %mul3A_273 = vector.broadcast %mul3A_272 : f32 to vector<128x128xf32>
    %mul3A_274 = arith.mulf %dot_general3A_270, %mul3A_273 : vector<128x128xf32>
    %dot_general3A_275 = arith.constant dense<0.000000e+00> : vector<128x128xf32>
    %dot_general3A_276 = tpu.matmul %get3A_248, %get3A_234, %dot_general3A_275 {dimension_numbers = #tpu.dot_dimension_numbers<[1], [1], [0], [0], [0, 0, 1, 0], [], []>, transpose_lhs_hint = false} : vector<128x128xf32>, vector<128x128xf32>, vector<128x128xf32> -> vector<128x128xf32>
    %mul3A_277 = arith.constant 0.0883883461 : f32
    %mul3A_278 = vector.broadcast %mul3A_277 : f32 to vector<128x128xf32>
    %mul3A_279 = arith.mulf %dot_general3A_276, %mul3A_278 : vector<128x128xf32>
    %jit3A_280 = arith.constant -3.40282347E+38 : f32
    %broadcast_in_dim3A_281 = vector.broadcast %jit3A_280 : f32 to vector<128x128xf32>
    %select_n3A_282 = arith.select %gt3A, %broadcast_in_dim3A_281, %mul3A_279 : vector<128x128xi1>, vector<128x128xf32>
    %exp3A_283 = math.exp %mul3A_261 : vector<128x128xf32>
    %exp3A_284 = math.exp %mul3A_274 : vector<128x128xf32>
    %exp3A_285 = math.exp %select_n3A_282 : vector<128x128xf32>
    %reduce_sum3A_286 = arith.constant dense<0.000000e+00> : vector<128xf32>
    %reduce_sum3A_287 = vector.multi_reduction <add>, %exp3A_283, %reduce_sum3A_286 [1] : vector<128x128xf32> to vector<128xf32>
    %reduce_sum3A_288 = arith.constant dense<0.000000e+00> : vector<128xf32>
    %reduce_sum3A_289 = vector.multi_reduction <add>, %exp3A_284, %reduce_sum3A_288 [1] : vector<128x128xf32> to vector<128xf32>
    %add3A_290 = arith.addf %reduce_sum3A_287, %reduce_sum3A_289 : vector<128xf32>
    %reduce_sum3A_291 = arith.constant dense<0.000000e+00> : vector<128xf32>
    %reduce_sum3A_292 = vector.multi_reduction <add>, %exp3A_285, %reduce_sum3A_291 [1] : vector<128x128xf32> to vector<128xf32>
    %add3A_293 = arith.addf %add3A_290, %reduce_sum3A_292 : vector<128xf32>
    %broadcast_in_dim3A_294 = vector.shape_cast %add3A_293 : vector<128xf32> to vector<128x1xf32>
    %get3A_295 = arith.constant 0 : index
    %get3A_296 = arith.constant 0 : index
    %get3A_297 = arith.constant 1 : index
    %get3A_298 = arith.constant 0 : index
    %get3A_299 = arith.constant 0 : index
    %get3A_300 = vector.load %arg9[%get3A_295, %get3A_296, %get3A_297, %get3A_298, %get3A_299] : memref<1x1x2x128x128xf32, #tpu.memory_space<vmem>>, vector<1x1x1x128x128xf32>
    %get3A_301 = vector.shape_cast %get3A_300 : vector<1x1x1x128x128xf32> to vector<128x128xf32>
    %dot_general3A_302 = arith.constant dense<0.000000e+00> : vector<128x128xf32>
    %dot_general3A_303 = tpu.matmul %exp3A_283, %get3A_301, %dot_general3A_302 {dimension_numbers = #tpu.dot_dimension_numbers<[1], [0], [0], [1], [0, 0, 1, 1], [], []>, transpose_lhs_hint = false} : vector<128x128xf32>, vector<128x128xf32>, vector<128x128xf32> -> vector<128x128xf32>
    %mul3A_304 = vector.broadcast %get3A_223 : f32 to vector<128x128xf32>
    %mul3A_305 = arith.mulf %dot_general3A_303, %mul3A_304 : vector<128x128xf32>
    %get3A_306 = arith.constant 0 : index
    %get3A_307 = arith.constant 0 : index
    %get3A_308 = arith.constant 1 : index
    %get3A_309 = arith.constant 0 : index
    %get3A_310 = arith.constant 0 : index
    %get3A_311 = vector.load %arg10[%get3A_306, %get3A_307, %get3A_308, %get3A_309, %get3A_310] : memref<1x1x2x128x128xf32, #tpu.memory_space<vmem>>, vector<1x1x1x128x128xf32>
    %get3A_312 = vector.shape_cast %get3A_311 : vector<1x1x1x128x128xf32> to vector<128x128xf32>
    %dot_general3A_313 = arith.constant dense<0.000000e+00> : vector<128x128xf32>
    %dot_general3A_314 = tpu.matmul %exp3A_284, %get3A_312, %dot_general3A_313 {dimension_numbers = #tpu.dot_dimension_numbers<[1], [0], [0], [1], [0, 0, 1, 1], [], []>, transpose_lhs_hint = false} : vector<128x128xf32>, vector<128x128xf32>, vector<128x128xf32> -> vector<128x128xf32>
    %mul3A_315 = vector.broadcast %get3A_227 : f32 to vector<128x128xf32>
    %mul3A_316 = arith.mulf %dot_general3A_314, %mul3A_315 : vector<128x128xf32>
    %add3A_317 = arith.addf %mul3A_305, %mul3A_316 : vector<128x128xf32>
    %dot_general3A_318 = arith.constant dense<0.000000e+00> : vector<128x128xf32>
    %dot_general3A_319 = tpu.matmul %exp3A_285, %get3A_241, %dot_general3A_318 {dimension_numbers = #tpu.dot_dimension_numbers<[1], [0], [0], [1], [0, 0, 1, 1], [], []>, transpose_lhs_hint = false} : vector<128x128xf32>, vector<128x128xf32>, vector<128x128xf32> -> vector<128x128xf32>
    %add3A_320 = arith.addf %add3A_317, %dot_general3A_319 : vector<128x128xf32>
    %div3A_321 = vector.broadcast %broadcast_in_dim3A_294 : vector<128x1xf32> to vector<128x128xf32>
    %div3A_322 = arith.divf %add3A_320, %div3A_321 : vector<128x128xf32>
    %swap3A_323 = arith.constant 0 : index
    %swap3A_324 = arith.constant 256 : index
    %swap3A_325 = arith.constant 0 : index
    %swap3A_326 = vector.load %arg21[%swap3A_323, %swap3A_324, %swap3A_325] : memref<1x1024x128xf32, #tpu.memory_space<vmem>>, vector<1x128x128xf32>
    %swap3A_327 = vector.shape_cast %swap3A_326 : vector<1x128x128xf32> to vector<128x128xf32>
    %swap3A_328 = vector.shape_cast %div3A_322 : vector<128x128xf32> to vector<1x128x128xf32>
    tpu.vector_store %arg21[%swap3A_323, %swap3A_324, %swap3A_325], %swap3A_328 {strides = array<i32>} : memref<1x1024x128xf32, #tpu.memory_space<vmem>>, vector<1x128x128xf32>,
    %mul3A_329 = arith.constant 8 : i32
    %mul3A_330 = arith.muli %arg1, %mul3A_329 : i32
    %add3A_331 = arith.constant 3 : i32
    %add3A_332 = arith.addi %mul3A_330, %add3A_331 : i32
    %get3A_333 = arith.index_cast %arg0 : i32 to index
    %get3A_334 = arith.index_cast %add3A_332 : i32 to index
    %get3A_335 = arith.constant 0 : index
    %get3A_336 = memref.load %arg3[%get3A_333, %get3A_334, %get3A_335] : memref<32x16x2xf32, #tpu.memory_space<smem>>
    %get3A_337 = arith.index_cast %arg0 : i32 to index
    %get3A_338 = arith.index_cast %add3A_332 : i32 to index
    %get3A_339 = arith.constant 1 : index
    %get3A_340 = memref.load %arg3[%get3A_337, %get3A_338, %get3A_339] : memref<32x16x2xf32, #tpu.memory_space<smem>>
    %get3A_341 = arith.constant 0 : index
    %get3A_342 = arith.constant 3 : index
    %get3A_343 = arith.constant 0 : index
    %get3A_344 = arith.constant 0 : index
    %get3A_345 = arith.constant 0 : index
    %get3A_346 = vector.load %arg4[%get3A_341, %get3A_342, %get3A_343, %get3A_344, %get3A_345] : memref<1x8x3x128x128xf32, #tpu.memory_space<vmem>>, vector<1x1x1x128x128xf32>
    %get3A_347 = vector.shape_cast %get3A_346 : vector<1x1x1x128x128xf32> to vector<128x128xf32>
    %get3A_348 = arith.constant 0 : index
    %get3A_349 = arith.constant 3 : index
    %get3A_350 = arith.constant 1 : index
    %get3A_351 = arith.constant 0 : index
    %get3A_352 = arith.constant 0 : index
    %get3A_353 = vector.load %arg4[%get3A_348, %get3A_349, %get3A_350, %get3A_351, %get3A_352] : memref<1x8x3x128x128xf32, #tpu.memory_space<vmem>>, vector<1x1x1x128x128xf32>
    %get3A_354 = vector.shape_cast %get3A_353 : vector<1x1x1x128x128xf32> to vector<128x128xf32>
    %get3A_355 = arith.constant 0 : index
    %get3A_356 = arith.constant 3 : index
    %get3A_357 = arith.constant 2 : index
    %get3A_358 = arith.constant 0 : index
    %get3A_359 = arith.constant 0 : index
    %get3A_360 = vector.load %arg4[%get3A_355, %get3A_356, %get3A_357, %get3A_358, %get3A_359] : memref<1x8x3x128x128xf32, #tpu.memory_space<vmem>>, vector<1x1x1x128x128xf32>
    %get3A_361 = vector.shape_cast %get3A_360 : vector<1x1x1x128x128xf32> to vector<128x128xf32>
    %get3A_362 = arith.constant 0 : index
    %get3A_363 = arith.constant 0 : index
    %get3A_364 = arith.constant 0 : index
    %get3A_365 = arith.constant 0 : index
    %get3A_366 = arith.constant 0 : index
    %get3A_367 = vector.load %arg11[%get3A_362, %get3A_363, %get3A_364, %get3A_365, %get3A_366] : memref<1x1x2x128x128xf32, #tpu.memory_space<vmem>>, vector<1x1x1x128x128xf32>
    %get3A_368 = vector.shape_cast %get3A_367 : vector<1x1x1x128x128xf32> to vector<128x128xf32>
    %dot_general3A_369 = arith.constant dense<0.000000e+00> : vector<128x128xf32>
    %dot_general3A_370 = tpu.matmul %get3A_361, %get3A_368, %dot_general3A_369 {dimension_numbers = #tpu.dot_dimension_numbers<[1], [1], [0], [0], [0, 0, 1, 0], [], []>, transpose_lhs_hint = false} : vector<128x128xf32>, vector<128x128xf32>, vector<128x128xf32> -> vector<128x128xf32>
    %mul3A_371 = arith.constant 0.0883883461 : f32
    %mul3A_372 = arith.mulf %get3A_336, %mul3A_371 : f32
    %mul3A_373 = vector.broadcast %mul3A_372 : f32 to vector<128x128xf32>
    %mul3A_374 = arith.mulf %dot_general3A_370, %mul3A_373 : vector<128x128xf32>
    %get3A_375 = arith.constant 0 : index
    %get3A_376 = arith.constant 0 : index
    %get3A_377 = arith.constant 0 : index
    %get3A_378 = arith.constant 0 : index
    %get3A_379 = arith.constant 0 : index
    %get3A_380 = vector.load %arg12[%get3A_375, %get3A_376, %get3A_377, %get3A_378, %get3A_379] : memref<1x1x2x128x128xf32, #tpu.memory_space<vmem>>, vector<1x1x1x128x128xf32>
    %get3A_381 = vector.shape_cast %get3A_380 : vector<1x1x1x128x128xf32> to vector<128x128xf32>
    %dot_general3A_382 = arith.constant dense<0.000000e+00> : vector<128x128xf32>
    %dot_general3A_383 = tpu.matmul %get3A_361, %get3A_381, %dot_general3A_382 {dimension_numbers = #tpu.dot_dimension_numbers<[1], [1], [0], [0], [0, 0, 1, 0], [], []>, transpose_lhs_hint = false} : vector<128x128xf32>, vector<128x128xf32>, vector<128x128xf32> -> vector<128x128xf32>
    %mul3A_384 = arith.constant 0.0883883461 : f32
    %mul3A_385 = arith.mulf %get3A_340, %mul3A_384 : f32
    %mul3A_386 = vector.broadcast %mul3A_385 : f32 to vector<128x128xf32>
    %mul3A_387 = arith.mulf %dot_general3A_383, %mul3A_386 : vector<128x128xf32>
    %dot_general3A_388 = arith.constant dense<0.000000e+00> : vector<128x128xf32>
    %dot_general3A_389 = tpu.matmul %get3A_361, %get3A_347, %dot_general3A_388 {dimension_numbers = #tpu.dot_dimension_numbers<[1], [1], [0], [0], [0, 0, 1, 0], [], []>, transpose_lhs_hint = false} : vector<128x128xf32>, vector<128x128xf32>, vector<128x128xf32> -> vector<128x128xf32>
    %mul3A_390 = arith.constant 0.0883883461 : f32
    %mul3A_391 = vector.broadcast %mul3A_390 : f32 to vector<128x128xf32>
    %mul3A_392 = arith.mulf %dot_general3A_389, %mul3A_391 : vector<128x128xf32>
    %jit3A_393 = arith.constant -3.40282347E+38 : f32
    %broadcast_in_dim3A_394 = vector.broadcast %jit3A_393 : f32 to vector<128x128xf32>
    %select_n3A_395 = arith.select %gt3A, %broadcast_in_dim3A_394, %mul3A_392 : vector<128x128xi1>, vector<128x128xf32>
    %exp3A_396 = math.exp %mul3A_374 : vector<128x128xf32>
    %exp3A_397 = math.exp %mul3A_387 : vector<128x128xf32>
    %exp3A_398 = math.exp %select_n3A_395 : vector<128x128xf32>
    %reduce_sum3A_399 = arith.constant dense<0.000000e+00> : vector<128xf32>
    %reduce_sum3A_400 = vector.multi_reduction <add>, %exp3A_396, %reduce_sum3A_399 [1] : vector<128x128xf32> to vector<128xf32>
    %reduce_sum3A_401 = arith.constant dense<0.000000e+00> : vector<128xf32>
    %reduce_sum3A_402 = vector.multi_reduction <add>, %exp3A_397, %reduce_sum3A_401 [1] : vector<128x128xf32> to vector<128xf32>
    %add3A_403 = arith.addf %reduce_sum3A_400, %reduce_sum3A_402 : vector<128xf32>
    %reduce_sum3A_404 = arith.constant dense<0.000000e+00> : vector<128xf32>
    %reduce_sum3A_405 = vector.multi_reduction <add>, %exp3A_398, %reduce_sum3A_404 [1] : vector<128x128xf32> to vector<128xf32>
    %add3A_406 = arith.addf %add3A_403, %reduce_sum3A_405 : vector<128xf32>
    %broadcast_in_dim3A_407 = vector.shape_cast %add3A_406 : vector<128xf32> to vector<128x1xf32>
    %get3A_408 = arith.constant 0 : index
    %get3A_409 = arith.constant 0 : index
    %get3A_410 = arith.constant 1 : index
    %get3A_411 = arith.constant 0 : index
    %get3A_412 = arith.constant 0 : index
    %get3A_413 = vector.load %arg11[%get3A_408, %get3A_409, %get3A_410, %get3A_411, %get3A_412] : memref<1x1x2x128x128xf32, #tpu.memory_space<vmem>>, vector<1x1x1x128x128xf32>
    %get3A_414 = vector.shape_cast %get3A_413 : vector<1x1x1x128x128xf32> to vector<128x128xf32>
    %dot_general3A_415 = arith.constant dense<0.000000e+00> : vector<128x128xf32>
    %dot_general3A_416 = tpu.matmul %exp3A_396, %get3A_414, %dot_general3A_415 {dimension_numbers = #tpu.dot_dimension_numbers<[1], [0], [0], [1], [0, 0, 1, 1], [], []>, transpose_lhs_hint = false} : vector<128x128xf32>, vector<128x128xf32>, vector<128x128xf32> -> vector<128x128xf32>
    %mul3A_417 = vector.broadcast %get3A_336 : f32 to vector<128x128xf32>
    %mul3A_418 = arith.mulf %dot_general3A_416, %mul3A_417 : vector<128x128xf32>
    %get3A_419 = arith.constant 0 : index
    %get3A_420 = arith.constant 0 : index
    %get3A_421 = arith.constant 1 : index
    %get3A_422 = arith.constant 0 : index
    %get3A_423 = arith.constant 0 : index
    %get3A_424 = vector.load %arg12[%get3A_419, %get3A_420, %get3A_421, %get3A_422, %get3A_423] : memref<1x1x2x128x128xf32, #tpu.memory_space<vmem>>, vector<1x1x1x128x128xf32>
    %get3A_425 = vector.shape_cast %get3A_424 : vector<1x1x1x128x128xf32> to vector<128x128xf32>
    %dot_general3A_426 = arith.constant dense<0.000000e+00> : vector<128x128xf32>
    %dot_general3A_427 = tpu.matmul %exp3A_397, %get3A_425, %dot_general3A_426 {dimension_numbers = #tpu.dot_dimension_numbers<[1], [0], [0], [1], [0, 0, 1, 1], [], []>, transpose_lhs_hint = false} : vector<128x128xf32>, vector<128x128xf32>, vector<128x128xf32> -> vector<128x128xf32>
    %mul3A_428 = vector.broadcast %get3A_340 : f32 to vector<128x128xf32>
    %mul3A_429 = arith.mulf %dot_general3A_427, %mul3A_428 : vector<128x128xf32>
    %add3A_430 = arith.addf %mul3A_418, %mul3A_429 : vector<128x128xf32>
    %dot_general3A_431 = arith.constant dense<0.000000e+00> : vector<128x128xf32>
    %dot_general3A_432 = tpu.matmul %exp3A_398, %get3A_354, %dot_general3A_431 {dimension_numbers = #tpu.dot_dimension_numbers<[1], [0], [0], [1], [0, 0, 1, 1], [], []>, transpose_lhs_hint = false} : vector<128x128xf32>, vector<128x128xf32>, vector<128x128xf32> -> vector<128x128xf32>
    %add3A_433 = arith.addf %add3A_430, %dot_general3A_432 : vector<128x128xf32>
    %div3A_434 = vector.broadcast %broadcast_in_dim3A_407 : vector<128x1xf32> to vector<128x128xf32>
    %div3A_435 = arith.divf %add3A_433, %div3A_434 : vector<128x128xf32>
    %swap3A_436 = arith.constant 0 : index
    %swap3A_437 = arith.constant 384 : index
    %swap3A_438 = arith.constant 0 : index
    %swap3A_439 = vector.load %arg21[%swap3A_436, %swap3A_437, %swap3A_438] : memref<1x1024x128xf32, #tpu.memory_space<vmem>>, vector<1x128x128xf32>
    %swap3A_440 = vector.shape_cast %swap3A_439 : vector<1x128x128xf32> to vector<128x128xf32>
    %swap3A_441 = vector.shape_cast %div3A_435 : vector<128x128xf32> to vector<1x128x128xf32>
    tpu.vector_store %arg21[%swap3A_436, %swap3A_437, %swap3A_438], %swap3A_441 {strides = array<i32>} : memref<1x1024x128xf32, #tpu.memory_space<vmem>>, vector<1x128x128xf32>,
    %mul3A_442 = arith.constant 8 : i32
    %mul3A_443 = arith.muli %arg1, %mul3A_442 : i32
    %add3A_444 = arith.constant 4 : i32
    %add3A_445 = arith.addi %mul3A_443, %add3A_444 : i32
    %get3A_446 = arith.index_cast %arg0 : i32 to index
    %get3A_447 = arith.index_cast %add3A_445 : i32 to index
    %get3A_448 = arith.constant 0 : index
    %get3A_449 = memref.load %arg3[%get3A_446, %get3A_447, %get3A_448] : memref<32x16x2xf32, #tpu.memory_space<smem>>
    %get3A_450 = arith.index_cast %arg0 : i32 to index
    %get3A_451 = arith.index_cast %add3A_445 : i32 to index
    %get3A_452 = arith.constant 1 : index
    %get3A_453 = memref.load %arg3[%get3A_450, %get3A_451, %get3A_452] : memref<32x16x2xf32, #tpu.memory_space<smem>>
    %get3A_454 = arith.constant 0 : index
    %get3A_455 = arith.constant 4 : index
    %get3A_456 = arith.constant 0 : index
    %get3A_457 = arith.constant 0 : index
    %get3A_458 = arith.constant 0 : index
    %get3A_459 = vector.load %arg4[%get3A_454, %get3A_455, %get3A_456, %get3A_457, %get3A_458] : memref<1x8x3x128x128xf32, #tpu.memory_space<vmem>>, vector<1x1x1x128x128xf32>
    %get3A_460 = vector.shape_cast %get3A_459 : vector<1x1x1x128x128xf32> to vector<128x128xf32>
    %get3A_461 = arith.constant 0 : index
    %get3A_462 = arith.constant 4 : index
    %get3A_463 = arith.constant 1 : index
    %get3A_464 = arith.constant 0 : index
    %get3A_465 = arith.constant 0 : index
    %get3A_466 = vector.load %arg4[%get3A_461, %get3A_462, %get3A_463, %get3A_464, %get3A_465] : memref<1x8x3x128x128xf32, #tpu.memory_space<vmem>>, vector<1x1x1x128x128xf32>
    %get3A_467 = vector.shape_cast %get3A_466 : vector<1x1x1x128x128xf32> to vector<128x128xf32>
    %get3A_468 = arith.constant 0 : index
    %get3A_469 = arith.constant 4 : index
    %get3A_470 = arith.constant 2 : index
    %get3A_471 = arith.constant 0 : index
    %get3A_472 = arith.constant 0 : index
    %get3A_473 = vector.load %arg4[%get3A_468, %get3A_469, %get3A_470, %get3A_471, %get3A_472] : memref<1x8x3x128x128xf32, #tpu.memory_space<vmem>>, vector<1x1x1x128x128xf32>
    %get3A_474 = vector.shape_cast %get3A_473 : vector<1x1x1x128x128xf32> to vector<128x128xf32>
    %get3A_475 = arith.constant 0 : index
    %get3A_476 = arith.constant 0 : index
    %get3A_477 = arith.constant 0 : index
    %get3A_478 = arith.constant 0 : index
    %get3A_479 = arith.constant 0 : index
    %get3A_480 = vector.load %arg13[%get3A_475, %get3A_476, %get3A_477, %get3A_478, %get3A_479] : memref<1x1x2x128x128xf32, #tpu.memory_space<vmem>>, vector<1x1x1x128x128xf32>
    %get3A_481 = vector.shape_cast %get3A_480 : vector<1x1x1x128x128xf32> to vector<128x128xf32>
    %dot_general3A_482 = arith.constant dense<0.000000e+00> : vector<128x128xf32>
    %dot_general3A_483 = tpu.matmul %get3A_474, %get3A_481, %dot_general3A_482 {dimension_numbers = #tpu.dot_dimension_numbers<[1], [1], [0], [0], [0, 0, 1, 0], [], []>, transpose_lhs_hint = false} : vector<128x128xf32>, vector<128x128xf32>, vector<128x128xf32> -> vector<128x128xf32>
    %mul3A_484 = arith.constant 0.0883883461 : f32
    %mul3A_485 = arith.mulf %get3A_449, %mul3A_484 : f32
    %mul3A_486 = vector.broadcast %mul3A_485 : f32 to vector<128x128xf32>
    %mul3A_487 = arith.mulf %dot_general3A_483, %mul3A_486 : vector<128x128xf32>
    %get3A_488 = arith.constant 0 : index
    %get3A_489 = arith.constant 0 : index
    %get3A_490 = arith.constant 0 : index
    %get3A_491 = arith.constant 0 : index
    %get3A_492 = arith.constant 0 : index
    %get3A_493 = vector.load %arg14[%get3A_488, %get3A_489, %get3A_490, %get3A_491, %get3A_492] : memref<1x1x2x128x128xf32, #tpu.memory_space<vmem>>, vector<1x1x1x128x128xf32>
    %get3A_494 = vector.shape_cast %get3A_493 : vector<1x1x1x128x128xf32> to vector<128x128xf32>
    %dot_general3A_495 = arith.constant dense<0.000000e+00> : vector<128x128xf32>
    %dot_general3A_496 = tpu.matmul %get3A_474, %get3A_494, %dot_general3A_495 {dimension_numbers = #tpu.dot_dimension_numbers<[1], [1], [0], [0], [0, 0, 1, 0], [], []>, transpose_lhs_hint = false} : vector<128x128xf32>, vector<128x128xf32>, vector<128x128xf32> -> vector<128x128xf32>
    %mul3A_497 = arith.constant 0.0883883461 : f32
    %mul3A_498 = arith.mulf %get3A_453, %mul3A_497 : f32
    %mul3A_499 = vector.broadcast %mul3A_498 : f32 to vector<128x128xf32>
    %mul3A_500 = arith.mulf %dot_general3A_496, %mul3A_499 : vector<128x128xf32>
    %dot_general3A_501 = arith.constant dense<0.000000e+00> : vector<128x128xf32>
    %dot_general3A_502 = tpu.matmul %get3A_474, %get3A_460, %dot_general3A_501 {dimension_numbers = #tpu.dot_dimension_numbers<[1], [1], [0], [0], [0, 0, 1, 0], [], []>, transpose_lhs_hint = false} : vector<128x128xf32>, vector<128x128xf32>, vector<128x128xf32> -> vector<128x128xf32>
    %mul3A_503 = arith.constant 0.0883883461 : f32
    %mul3A_504 = vector.broadcast %mul3A_503 : f32 to vector<128x128xf32>
    %mul3A_505 = arith.mulf %dot_general3A_502, %mul3A_504 : vector<128x128xf32>
    %jit3A_506 = arith.constant -3.40282347E+38 : f32
    %broadcast_in_dim3A_507 = vector.broadcast %jit3A_506 : f32 to vector<128x128xf32>
    %select_n3A_508 = arith.select %gt3A, %broadcast_in_dim3A_507, %mul3A_505 : vector<128x128xi1>, vector<128x128xf32>
    %exp3A_509 = math.exp %mul3A_487 : vector<128x128xf32>
    %exp3A_510 = math.exp %mul3A_500 : vector<128x128xf32>
    %exp3A_511 = math.exp %select_n3A_508 : vector<128x128xf32>
    %reduce_sum3A_512 = arith.constant dense<0.000000e+00> : vector<128xf32>
    %reduce_sum3A_513 = vector.multi_reduction <add>, %exp3A_509, %reduce_sum3A_512 [1] : vector<128x128xf32> to vector<128xf32>
    %reduce_sum3A_514 = arith.constant dense<0.000000e+00> : vector<128xf32>
    %reduce_sum3A_515 = vector.multi_reduction <add>, %exp3A_510, %reduce_sum3A_514 [1] : vector<128x128xf32> to vector<128xf32>
    %add3A_516 = arith.addf %reduce_sum3A_513, %reduce_sum3A_515 : vector<128xf32>
    %reduce_sum3A_517 = arith.constant dense<0.000000e+00> : vector<128xf32>
    %reduce_sum3A_518 = vector.multi_reduction <add>, %exp3A_511, %reduce_sum3A_517 [1] : vector<128x128xf32> to vector<128xf32>
    %add3A_519 = arith.addf %add3A_516, %reduce_sum3A_518 : vector<128xf32>
    %broadcast_in_dim3A_520 = vector.shape_cast %add3A_519 : vector<128xf32> to vector<128x1xf32>
    %get3A_521 = arith.constant 0 : index
    %get3A_522 = arith.constant 0 : index
    %get3A_523 = arith.constant 1 : index
    %get3A_524 = arith.constant 0 : index
    %get3A_525 = arith.constant 0 : index
    %get3A_526 = vector.load %arg13[%get3A_521, %get3A_522, %get3A_523, %get3A_524, %get3A_525] : memref<1x1x2x128x128xf32, #tpu.memory_space<vmem>>, vector<1x1x1x128x128xf32>
    %get3A_527 = vector.shape_cast %get3A_526 : vector<1x1x1x128x128xf32> to vector<128x128xf32>
    %dot_general3A_528 = arith.constant dense<0.000000e+00> : vector<128x128xf32>
    %dot_general3A_529 = tpu.matmul %exp3A_509, %get3A_527, %dot_general3A_528 {dimension_numbers = #tpu.dot_dimension_numbers<[1], [0], [0], [1], [0, 0, 1, 1], [], []>, transpose_lhs_hint = false} : vector<128x128xf32>, vector<128x128xf32>, vector<128x128xf32> -> vector<128x128xf32>
    %mul3A_530 = vector.broadcast %get3A_449 : f32 to vector<128x128xf32>
    %mul3A_531 = arith.mulf %dot_general3A_529, %mul3A_530 : vector<128x128xf32>
    %get3A_532 = arith.constant 0 : index
    %get3A_533 = arith.constant 0 : index
    %get3A_534 = arith.constant 1 : index
    %get3A_535 = arith.constant 0 : index
    %get3A_536 = arith.constant 0 : index
    %get3A_537 = vector.load %arg14[%get3A_532, %get3A_533, %get3A_534, %get3A_535, %get3A_536] : memref<1x1x2x128x128xf32, #tpu.memory_space<vmem>>, vector<1x1x1x128x128xf32>
    %get3A_538 = vector.shape_cast %get3A_537 : vector<1x1x1x128x128xf32> to vector<128x128xf32>
    %dot_general3A_539 = arith.constant dense<0.000000e+00> : vector<128x128xf32>
    %dot_general3A_540 = tpu.matmul %exp3A_510, %get3A_538, %dot_general3A_539 {dimension_numbers = #tpu.dot_dimension_numbers<[1], [0], [0], [1], [0, 0, 1, 1], [], []>, transpose_lhs_hint = false} : vector<128x128xf32>, vector<128x128xf32>, vector<128x128xf32> -> vector<128x128xf32>
    %mul3A_541 = vector.broadcast %get3A_453 : f32 to vector<128x128xf32>
    %mul3A_542 = arith.mulf %dot_general3A_540, %mul3A_541 : vector<128x128xf32>
    %add3A_543 = arith.addf %mul3A_531, %mul3A_542 : vector<128x128xf32>
    %dot_general3A_544 = arith.constant dense<0.000000e+00> : vector<128x128xf32>
    %dot_general3A_545 = tpu.matmul %exp3A_511, %get3A_467, %dot_general3A_544 {dimension_numbers = #tpu.dot_dimension_numbers<[1], [0], [0], [1], [0, 0, 1, 1], [], []>, transpose_lhs_hint = false} : vector<128x128xf32>, vector<128x128xf32>, vector<128x128xf32> -> vector<128x128xf32>
    %add3A_546 = arith.addf %add3A_543, %dot_general3A_545 : vector<128x128xf32>
    %div3A_547 = vector.broadcast %broadcast_in_dim3A_520 : vector<128x1xf32> to vector<128x128xf32>
    %div3A_548 = arith.divf %add3A_546, %div3A_547 : vector<128x128xf32>
    %swap3A_549 = arith.constant 0 : index
    %swap3A_550 = arith.constant 512 : index
    %swap3A_551 = arith.constant 0 : index
    %swap3A_552 = vector.load %arg21[%swap3A_549, %swap3A_550, %swap3A_551] : memref<1x1024x128xf32, #tpu.memory_space<vmem>>, vector<1x128x128xf32>
    %swap3A_553 = vector.shape_cast %swap3A_552 : vector<1x128x128xf32> to vector<128x128xf32>
    %swap3A_554 = vector.shape_cast %div3A_548 : vector<128x128xf32> to vector<1x128x128xf32>
    tpu.vector_store %arg21[%swap3A_549, %swap3A_550, %swap3A_551], %swap3A_554 {strides = array<i32>} : memref<1x1024x128xf32, #tpu.memory_space<vmem>>, vector<1x128x128xf32>,
    %mul3A_555 = arith.constant 8 : i32
    %mul3A_556 = arith.muli %arg1, %mul3A_555 : i32
    %add3A_557 = arith.constant 5 : i32
    %add3A_558 = arith.addi %mul3A_556, %add3A_557 : i32
    %get3A_559 = arith.index_cast %arg0 : i32 to index
    %get3A_560 = arith.index_cast %add3A_558 : i32 to index
    %get3A_561 = arith.constant 0 : index
    %get3A_562 = memref.load %arg3[%get3A_559, %get3A_560, %get3A_561] : memref<32x16x2xf32, #tpu.memory_space<smem>>
    %get3A_563 = arith.index_cast %arg0 : i32 to index
    %get3A_564 = arith.index_cast %add3A_558 : i32 to index
    %get3A_565 = arith.constant 1 : index
    %get3A_566 = memref.load %arg3[%get3A_563, %get3A_564, %get3A_565] : memref<32x16x2xf32, #tpu.memory_space<smem>>
    %get3A_567 = arith.constant 0 : index
    %get3A_568 = arith.constant 5 : index
    %get3A_569 = arith.constant 0 : index
    %get3A_570 = arith.constant 0 : index
    %get3A_571 = arith.constant 0 : index
    %get3A_572 = vector.load %arg4[%get3A_567, %get3A_568, %get3A_569, %get3A_570, %get3A_571] : memref<1x8x3x128x128xf32, #tpu.memory_space<vmem>>, vector<1x1x1x128x128xf32>
    %get3A_573 = vector.shape_cast %get3A_572 : vector<1x1x1x128x128xf32> to vector<128x128xf32>
    %get3A_574 = arith.constant 0 : index
    %get3A_575 = arith.constant 5 : index
    %get3A_576 = arith.constant 1 : index
    %get3A_577 = arith.constant 0 : index
    %get3A_578 = arith.constant 0 : index
    %get3A_579 = vector.load %arg4[%get3A_574, %get3A_575, %get3A_576, %get3A_577, %get3A_578] : memref<1x8x3x128x128xf32, #tpu.memory_space<vmem>>, vector<1x1x1x128x128xf32>
    %get3A_580 = vector.shape_cast %get3A_579 : vector<1x1x1x128x128xf32> to vector<128x128xf32>
    %get3A_581 = arith.constant 0 : index
    %get3A_582 = arith.constant 5 : index
    %get3A_583 = arith.constant 2 : index
    %get3A_584 = arith.constant 0 : index
    %get3A_585 = arith.constant 0 : index
    %get3A_586 = vector.load %arg4[%get3A_581, %get3A_582, %get3A_583, %get3A_584, %get3A_585] : memref<1x8x3x128x128xf32, #tpu.memory_space<vmem>>, vector<1x1x1x128x128xf32>
    %get3A_587 = vector.shape_cast %get3A_586 : vector<1x1x1x128x128xf32> to vector<128x128xf32>
    %get3A_588 = arith.constant 0 : index
    %get3A_589 = arith.constant 0 : index
    %get3A_590 = arith.constant 0 : index
    %get3A_591 = arith.constant 0 : index
    %get3A_592 = arith.constant 0 : index
    %get3A_593 = vector.load %arg15[%get3A_588, %get3A_589, %get3A_590, %get3A_591, %get3A_592] : memref<1x1x2x128x128xf32, #tpu.memory_space<vmem>>, vector<1x1x1x128x128xf32>
    %get3A_594 = vector.shape_cast %get3A_593 : vector<1x1x1x128x128xf32> to vector<128x128xf32>
    %dot_general3A_595 = arith.constant dense<0.000000e+00> : vector<128x128xf32>
    %dot_general3A_596 = tpu.matmul %get3A_587, %get3A_594, %dot_general3A_595 {dimension_numbers = #tpu.dot_dimension_numbers<[1], [1], [0], [0], [0, 0, 1, 0], [], []>, transpose_lhs_hint = false} : vector<128x128xf32>, vector<128x128xf32>, vector<128x128xf32> -> vector<128x128xf32>
    %mul3A_597 = arith.constant 0.0883883461 : f32
    %mul3A_598 = arith.mulf %get3A_562, %mul3A_597 : f32
    %mul3A_599 = vector.broadcast %mul3A_598 : f32 to vector<128x128xf32>
    %mul3A_600 = arith.mulf %dot_general3A_596, %mul3A_599 : vector<128x128xf32>
    %get3A_601 = arith.constant 0 : index
    %get3A_602 = arith.constant 0 : index
    %get3A_603 = arith.constant 0 : index
    %get3A_604 = arith.constant 0 : index
    %get3A_605 = arith.constant 0 : index
    %get3A_606 = vector.load %arg16[%get3A_601, %get3A_602, %get3A_603, %get3A_604, %get3A_605] : memref<1x1x2x128x128xf32, #tpu.memory_space<vmem>>, vector<1x1x1x128x128xf32>
    %get3A_607 = vector.shape_cast %get3A_606 : vector<1x1x1x128x128xf32> to vector<128x128xf32>
    %dot_general3A_608 = arith.constant dense<0.000000e+00> : vector<128x128xf32>
    %dot_general3A_609 = tpu.matmul %get3A_587, %get3A_607, %dot_general3A_608 {dimension_numbers = #tpu.dot_dimension_numbers<[1], [1], [0], [0], [0, 0, 1, 0], [], []>, transpose_lhs_hint = false} : vector<128x128xf32>, vector<128x128xf32>, vector<128x128xf32> -> vector<128x128xf32>
    %mul3A_610 = arith.constant 0.0883883461 : f32
    %mul3A_611 = arith.mulf %get3A_566, %mul3A_610 : f32
    %mul3A_612 = vector.broadcast %mul3A_611 : f32 to vector<128x128xf32>
    %mul3A_613 = arith.mulf %dot_general3A_609, %mul3A_612 : vector<128x128xf32>
    %dot_general3A_614 = arith.constant dense<0.000000e+00> : vector<128x128xf32>
    %dot_general3A_615 = tpu.matmul %get3A_587, %get3A_573, %dot_general3A_614 {dimension_numbers = #tpu.dot_dimension_numbers<[1], [1], [0], [0], [0, 0, 1, 0], [], []>, transpose_lhs_hint = false} : vector<128x128xf32>, vector<128x128xf32>, vector<128x128xf32> -> vector<128x128xf32>
    %mul3A_616 = arith.constant 0.0883883461 : f32
    %mul3A_617 = vector.broadcast %mul3A_616 : f32 to vector<128x128xf32>
    %mul3A_618 = arith.mulf %dot_general3A_615, %mul3A_617 : vector<128x128xf32>
    %jit3A_619 = arith.constant -3.40282347E+38 : f32
    %broadcast_in_dim3A_620 = vector.broadcast %jit3A_619 : f32 to vector<128x128xf32>
    %select_n3A_621 = arith.select %gt3A, %broadcast_in_dim3A_620, %mul3A_618 : vector<128x128xi1>, vector<128x128xf32>
    %exp3A_622 = math.exp %mul3A_600 : vector<128x128xf32>
    %exp3A_623 = math.exp %mul3A_613 : vector<128x128xf32>
    %exp3A_624 = math.exp %select_n3A_621 : vector<128x128xf32>
    %reduce_sum3A_625 = arith.constant dense<0.000000e+00> : vector<128xf32>
    %reduce_sum3A_626 = vector.multi_reduction <add>, %exp3A_622, %reduce_sum3A_625 [1] : vector<128x128xf32> to vector<128xf32>
    %reduce_sum3A_627 = arith.constant dense<0.000000e+00> : vector<128xf32>
    %reduce_sum3A_628 = vector.multi_reduction <add>, %exp3A_623, %reduce_sum3A_627 [1] : vector<128x128xf32> to vector<128xf32>
    %add3A_629 = arith.addf %reduce_sum3A_626, %reduce_sum3A_628 : vector<128xf32>
    %reduce_sum3A_630 = arith.constant dense<0.000000e+00> : vector<128xf32>
    %reduce_sum3A_631 = vector.multi_reduction <add>, %exp3A_624, %reduce_sum3A_630 [1] : vector<128x128xf32> to vector<128xf32>
    %add3A_632 = arith.addf %add3A_629, %reduce_sum3A_631 : vector<128xf32>
    %broadcast_in_dim3A_633 = vector.shape_cast %add3A_632 : vector<128xf32> to vector<128x1xf32>
    %get3A_634 = arith.constant 0 : index
    %get3A_635 = arith.constant 0 : index
    %get3A_636 = arith.constant 1 : index
    %get3A_637 = arith.constant 0 : index
    %get3A_638 = arith.constant 0 : index
    %get3A_639 = vector.load %arg15[%get3A_634, %get3A_635, %get3A_636, %get3A_637, %get3A_638] : memref<1x1x2x128x128xf32, #tpu.memory_space<vmem>>, vector<1x1x1x128x128xf32>
    %get3A_640 = vector.shape_cast %get3A_639 : vector<1x1x1x128x128xf32> to vector<128x128xf32>
    %dot_general3A_641 = arith.constant dense<0.000000e+00> : vector<128x128xf32>
    %dot_general3A_642 = tpu.matmul %exp3A_622, %get3A_640, %dot_general3A_641 {dimension_numbers = #tpu.dot_dimension_numbers<[1], [0], [0], [1], [0, 0, 1, 1], [], []>, transpose_lhs_hint = false} : vector<128x128xf32>, vector<128x128xf32>, vector<128x128xf32> -> vector<128x128xf32>
    %mul3A_643 = vector.broadcast %get3A_562 : f32 to vector<128x128xf32>
    %mul3A_644 = arith.mulf %dot_general3A_642, %mul3A_643 : vector<128x128xf32>
    %get3A_645 = arith.constant 0 : index
    %get3A_646 = arith.constant 0 : index
    %get3A_647 = arith.constant 1 : index
    %get3A_648 = arith.constant 0 : index
    %get3A_649 = arith.constant 0 : index
    %get3A_650 = vector.load %arg16[%get3A_645, %get3A_646, %get3A_647, %get3A_648, %get3A_649] : memref<1x1x2x128x128xf32, #tpu.memory_space<vmem>>, vector<1x1x1x128x128xf32>
    %get3A_651 = vector.shape_cast %get3A_650 : vector<1x1x1x128x128xf32> to vector<128x128xf32>
    %dot_general3A_652 = arith.constant dense<0.000000e+00> : vector<128x128xf32>
    %dot_general3A_653 = tpu.matmul %exp3A_623, %get3A_651, %dot_general3A_652 {dimension_numbers = #tpu.dot_dimension_numbers<[1], [0], [0], [1], [0, 0, 1, 1], [], []>, transpose_lhs_hint = false} : vector<128x128xf32>, vector<128x128xf32>, vector<128x128xf32> -> vector<128x128xf32>
    %mul3A_654 = vector.broadcast %get3A_566 : f32 to vector<128x128xf32>
    %mul3A_655 = arith.mulf %dot_general3A_653, %mul3A_654 : vector<128x128xf32>
    %add3A_656 = arith.addf %mul3A_644, %mul3A_655 : vector<128x128xf32>
    %dot_general3A_657 = arith.constant dense<0.000000e+00> : vector<128x128xf32>
    %dot_general3A_658 = tpu.matmul %exp3A_624, %get3A_580, %dot_general3A_657 {dimension_numbers = #tpu.dot_dimension_numbers<[1], [0], [0], [1], [0, 0, 1, 1], [], []>, transpose_lhs_hint = false} : vector<128x128xf32>, vector<128x128xf32>, vector<128x128xf32> -> vector<128x128xf32>
    %add3A_659 = arith.addf %add3A_656, %dot_general3A_658 : vector<128x128xf32>
    %div3A_660 = vector.broadcast %broadcast_in_dim3A_633 : vector<128x1xf32> to vector<128x128xf32>
    %div3A_661 = arith.divf %add3A_659, %div3A_660 : vector<128x128xf32>
    %swap3A_662 = arith.constant 0 : index
    %swap3A_663 = arith.constant 640 : index
    %swap3A_664 = arith.constant 0 : index
    %swap3A_665 = vector.load %arg21[%swap3A_662, %swap3A_663, %swap3A_664] : memref<1x1024x128xf32, #tpu.memory_space<vmem>>, vector<1x128x128xf32>
    %swap3A_666 = vector.shape_cast %swap3A_665 : vector<1x128x128xf32> to vector<128x128xf32>
    %swap3A_667 = vector.shape_cast %div3A_661 : vector<128x128xf32> to vector<1x128x128xf32>
    tpu.vector_store %arg21[%swap3A_662, %swap3A_663, %swap3A_664], %swap3A_667 {strides = array<i32>} : memref<1x1024x128xf32, #tpu.memory_space<vmem>>, vector<1x128x128xf32>,
    %mul3A_668 = arith.constant 8 : i32
    %mul3A_669 = arith.muli %arg1, %mul3A_668 : i32
    %add3A_670 = arith.constant 6 : i32
    %add3A_671 = arith.addi %mul3A_669, %add3A_670 : i32
    %get3A_672 = arith.index_cast %arg0 : i32 to index
    %get3A_673 = arith.index_cast %add3A_671 : i32 to index
    %get3A_674 = arith.constant 0 : index
    %get3A_675 = memref.load %arg3[%get3A_672, %get3A_673, %get3A_674] : memref<32x16x2xf32, #tpu.memory_space<smem>>
    %get3A_676 = arith.index_cast %arg0 : i32 to index
    %get3A_677 = arith.index_cast %add3A_671 : i32 to index
    %get3A_678 = arith.constant 1 : index
    %get3A_679 = memref.load %arg3[%get3A_676, %get3A_677, %get3A_678] : memref<32x16x2xf32, #tpu.memory_space<smem>>
    %get3A_680 = arith.constant 0 : index
    %get3A_681 = arith.constant 6 : index
    %get3A_682 = arith.constant 0 : index
    %get3A_683 = arith.constant 0 : index
    %get3A_684 = arith.constant 0 : index
    %get3A_685 = vector.load %arg4[%get3A_680, %get3A_681, %get3A_682, %get3A_683, %get3A_684] : memref<1x8x3x128x128xf32, #tpu.memory_space<vmem>>, vector<1x1x1x128x128xf32>
    %get3A_686 = vector.shape_cast %get3A_685 : vector<1x1x1x128x128xf32> to vector<128x128xf32>
    %get3A_687 = arith.constant 0 : index
    %get3A_688 = arith.constant 6 : index
    %get3A_689 = arith.constant 1 : index
    %get3A_690 = arith.constant 0 : index
    %get3A_691 = arith.constant 0 : index
    %get3A_692 = vector.load %arg4[%get3A_687, %get3A_688, %get3A_689, %get3A_690, %get3A_691] : memref<1x8x3x128x128xf32, #tpu.memory_space<vmem>>, vector<1x1x1x128x128xf32>
    %get3A_693 = vector.shape_cast %get3A_692 : vector<1x1x1x128x128xf32> to vector<128x128xf32>
    %get3A_694 = arith.constant 0 : index
    %get3A_695 = arith.constant 6 : index
    %get3A_696 = arith.constant 2 : index
    %get3A_697 = arith.constant 0 : index
    %get3A_698 = arith.constant 0 : index
    %get3A_699 = vector.load %arg4[%get3A_694, %get3A_695, %get3A_696, %get3A_697, %get3A_698] : memref<1x8x3x128x128xf32, #tpu.memory_space<vmem>>, vector<1x1x1x128x128xf32>
    %get3A_700 = vector.shape_cast %get3A_699 : vector<1x1x1x128x128xf32> to vector<128x128xf32>
    %get3A_701 = arith.constant 0 : index
    %get3A_702 = arith.constant 0 : index
    %get3A_703 = arith.constant 0 : index
    %get3A_704 = arith.constant 0 : index
    %get3A_705 = arith.constant 0 : index
    %get3A_706 = vector.load %arg17[%get3A_701, %get3A_702, %get3A_703, %get3A_704, %get3A_705] : memref<1x1x2x128x128xf32, #tpu.memory_space<vmem>>, vector<1x1x1x128x128xf32>
    %get3A_707 = vector.shape_cast %get3A_706 : vector<1x1x1x128x128xf32> to vector<128x128xf32>
    %dot_general3A_708 = arith.constant dense<0.000000e+00> : vector<128x128xf32>
    %dot_general3A_709 = tpu.matmul %get3A_700, %get3A_707, %dot_general3A_708 {dimension_numbers = #tpu.dot_dimension_numbers<[1], [1], [0], [0], [0, 0, 1, 0], [], []>, transpose_lhs_hint = false} : vector<128x128xf32>, vector<128x128xf32>, vector<128x128xf32> -> vector<128x128xf32>
    %mul3A_710 = arith.constant 0.0883883461 : f32
    %mul3A_711 = arith.mulf %get3A_675, %mul3A_710 : f32
    %mul3A_712 = vector.broadcast %mul3A_711 : f32 to vector<128x128xf32>
    %mul3A_713 = arith.mulf %dot_general3A_709, %mul3A_712 : vector<128x128xf32>
    %get3A_714 = arith.constant 0 : index
    %get3A_715 = arith.constant 0 : index
    %get3A_716 = arith.constant 0 : index
    %get3A_717 = arith.constant 0 : index
    %get3A_718 = arith.constant 0 : index
    %get3A_719 = vector.load %arg18[%get3A_714, %get3A_715, %get3A_716, %get3A_717, %get3A_718] : memref<1x1x2x128x128xf32, #tpu.memory_space<vmem>>, vector<1x1x1x128x128xf32>
    %get3A_720 = vector.shape_cast %get3A_719 : vector<1x1x1x128x128xf32> to vector<128x128xf32>
    %dot_general3A_721 = arith.constant dense<0.000000e+00> : vector<128x128xf32>
    %dot_general3A_722 = tpu.matmul %get3A_700, %get3A_720, %dot_general3A_721 {dimension_numbers = #tpu.dot_dimension_numbers<[1], [1], [0], [0], [0, 0, 1, 0], [], []>, transpose_lhs_hint = false} : vector<128x128xf32>, vector<128x128xf32>, vector<128x128xf32> -> vector<128x128xf32>
    %mul3A_723 = arith.constant 0.0883883461 : f32
    %mul3A_724 = arith.mulf %get3A_679, %mul3A_723 : f32
    %mul3A_725 = vector.broadcast %mul3A_724 : f32 to vector<128x128xf32>
    %mul3A_726 = arith.mulf %dot_general3A_722, %mul3A_725 : vector<128x128xf32>
    %dot_general3A_727 = arith.constant dense<0.000000e+00> : vector<128x128xf32>
    %dot_general3A_728 = tpu.matmul %get3A_700, %get3A_686, %dot_general3A_727 {dimension_numbers = #tpu.dot_dimension_numbers<[1], [1], [0], [0], [0, 0, 1, 0], [], []>, transpose_lhs_hint = false} : vector<128x128xf32>, vector<128x128xf32>, vector<128x128xf32> -> vector<128x128xf32>
    %mul3A_729 = arith.constant 0.0883883461 : f32
    %mul3A_730 = vector.broadcast %mul3A_729 : f32 to vector<128x128xf32>
    %mul3A_731 = arith.mulf %dot_general3A_728, %mul3A_730 : vector<128x128xf32>
    %jit3A_732 = arith.constant -3.40282347E+38 : f32
    %broadcast_in_dim3A_733 = vector.broadcast %jit3A_732 : f32 to vector<128x128xf32>
    %select_n3A_734 = arith.select %gt3A, %broadcast_in_dim3A_733, %mul3A_731 : vector<128x128xi1>, vector<128x128xf32>
    %exp3A_735 = math.exp %mul3A_713 : vector<128x128xf32>
    %exp3A_736 = math.exp %mul3A_726 : vector<128x128xf32>
    %exp3A_737 = math.exp %select_n3A_734 : vector<128x128xf32>
    %reduce_sum3A_738 = arith.constant dense<0.000000e+00> : vector<128xf32>
    %reduce_sum3A_739 = vector.multi_reduction <add>, %exp3A_735, %reduce_sum3A_738 [1] : vector<128x128xf32> to vector<128xf32>
    %reduce_sum3A_740 = arith.constant dense<0.000000e+00> : vector<128xf32>
    %reduce_sum3A_741 = vector.multi_reduction <add>, %exp3A_736, %reduce_sum3A_740 [1] : vector<128x128xf32> to vector<128xf32>
    %add3A_742 = arith.addf %reduce_sum3A_739, %reduce_sum3A_741 : vector<128xf32>
    %reduce_sum3A_743 = arith.constant dense<0.000000e+00> : vector<128xf32>
    %reduce_sum3A_744 = vector.multi_reduction <add>, %exp3A_737, %reduce_sum3A_743 [1] : vector<128x128xf32> to vector<128xf32>
    %add3A_745 = arith.addf %add3A_742, %reduce_sum3A_744 : vector<128xf32>
    %broadcast_in_dim3A_746 = vector.shape_cast %add3A_745 : vector<128xf32> to vector<128x1xf32>
    %get3A_747 = arith.constant 0 : index
    %get3A_748 = arith.constant 0 : index
    %get3A_749 = arith.constant 1 : index
    %get3A_750 = arith.constant 0 : index
    %get3A_751 = arith.constant 0 : index
    %get3A_752 = vector.load %arg17[%get3A_747, %get3A_748, %get3A_749, %get3A_750, %get3A_751] : memref<1x1x2x128x128xf32, #tpu.memory_space<vmem>>, vector<1x1x1x128x128xf32>
    %get3A_753 = vector.shape_cast %get3A_752 : vector<1x1x1x128x128xf32> to vector<128x128xf32>
    %dot_general3A_754 = arith.constant dense<0.000000e+00> : vector<128x128xf32>
    %dot_general3A_755 = tpu.matmul %exp3A_735, %get3A_753, %dot_general3A_754 {dimension_numbers = #tpu.dot_dimension_numbers<[1], [0], [0], [1], [0, 0, 1, 1], [], []>, transpose_lhs_hint = false} : vector<128x128xf32>, vector<128x128xf32>, vector<128x128xf32> -> vector<128x128xf32>
    %mul3A_756 = vector.broadcast %get3A_675 : f32 to vector<128x128xf32>
    %mul3A_757 = arith.mulf %dot_general3A_755, %mul3A_756 : vector<128x128xf32>
    %get3A_758 = arith.constant 0 : index
    %get3A_759 = arith.constant 0 : index
    %get3A_760 = arith.constant 1 : index
    %get3A_761 = arith.constant 0 : index
    %get3A_762 = arith.constant 0 : index
    %get3A_763 = vector.load %arg18[%get3A_758, %get3A_759, %get3A_760, %get3A_761, %get3A_762] : memref<1x1x2x128x128xf32, #tpu.memory_space<vmem>>, vector<1x1x1x128x128xf32>
    %get3A_764 = vector.shape_cast %get3A_763 : vector<1x1x1x128x128xf32> to vector<128x128xf32>
    %dot_general3A_765 = arith.constant dense<0.000000e+00> : vector<128x128xf32>
    %dot_general3A_766 = tpu.matmul %exp3A_736, %get3A_764, %dot_general3A_765 {dimension_numbers = #tpu.dot_dimension_numbers<[1], [0], [0], [1], [0, 0, 1, 1], [], []>, transpose_lhs_hint = false} : vector<128x128xf32>, vector<128x128xf32>, vector<128x128xf32> -> vector<128x128xf32>
    %mul3A_767 = vector.broadcast %get3A_679 : f32 to vector<128x128xf32>
    %mul3A_768 = arith.mulf %dot_general3A_766, %mul3A_767 : vector<128x128xf32>
    %add3A_769 = arith.addf %mul3A_757, %mul3A_768 : vector<128x128xf32>
    %dot_general3A_770 = arith.constant dense<0.000000e+00> : vector<128x128xf32>
    %dot_general3A_771 = tpu.matmul %exp3A_737, %get3A_693, %dot_general3A_770 {dimension_numbers = #tpu.dot_dimension_numbers<[1], [0], [0], [1], [0, 0, 1, 1], [], []>, transpose_lhs_hint = false} : vector<128x128xf32>, vector<128x128xf32>, vector<128x128xf32> -> vector<128x128xf32>
    %add3A_772 = arith.addf %add3A_769, %dot_general3A_771 : vector<128x128xf32>
    %div3A_773 = vector.broadcast %broadcast_in_dim3A_746 : vector<128x1xf32> to vector<128x128xf32>
    %div3A_774 = arith.divf %add3A_772, %div3A_773 : vector<128x128xf32>
    %swap3A_775 = arith.constant 0 : index
    %swap3A_776 = arith.constant 768 : index
    %swap3A_777 = arith.constant 0 : index
    %swap3A_778 = vector.load %arg21[%swap3A_775, %swap3A_776, %swap3A_777] : memref<1x1024x128xf32, #tpu.memory_space<vmem>>, vector<1x128x128xf32>
    %swap3A_779 = vector.shape_cast %swap3A_778 : vector<1x128x128xf32> to vector<128x128xf32>
    %swap3A_780 = vector.shape_cast %div3A_774 : vector<128x128xf32> to vector<1x128x128xf32>
    tpu.vector_store %arg21[%swap3A_775, %swap3A_776, %swap3A_777], %swap3A_780 {strides = array<i32>} : memref<1x1024x128xf32, #tpu.memory_space<vmem>>, vector<1x128x128xf32>,
    %mul3A_781 = arith.constant 8 : i32
    %mul3A_782 = arith.muli %arg1, %mul3A_781 : i32
    %add3A_783 = arith.constant 7 : i32
    %add3A_784 = arith.addi %mul3A_782, %add3A_783 : i32
    %get3A_785 = arith.index_cast %arg0 : i32 to index
    %get3A_786 = arith.index_cast %add3A_784 : i32 to index
    %get3A_787 = arith.constant 0 : index
    %get3A_788 = memref.load %arg3[%get3A_785, %get3A_786, %get3A_787] : memref<32x16x2xf32, #tpu.memory_space<smem>>
    %get3A_789 = arith.index_cast %arg0 : i32 to index
    %get3A_790 = arith.index_cast %add3A_784 : i32 to index
    %get3A_791 = arith.constant 1 : index
    %get3A_792 = memref.load %arg3[%get3A_789, %get3A_790, %get3A_791] : memref<32x16x2xf32, #tpu.memory_space<smem>>
    %get3A_793 = arith.constant 0 : index
    %get3A_794 = arith.constant 7 : index
    %get3A_795 = arith.constant 0 : index
    %get3A_796 = arith.constant 0 : index
    %get3A_797 = arith.constant 0 : index
    %get3A_798 = vector.load %arg4[%get3A_793, %get3A_794, %get3A_795, %get3A_796, %get3A_797] : memref<1x8x3x128x128xf32, #tpu.memory_space<vmem>>, vector<1x1x1x128x128xf32>
    %get3A_799 = vector.shape_cast %get3A_798 : vector<1x1x1x128x128xf32> to vector<128x128xf32>
    %get3A_800 = arith.constant 0 : index
    %get3A_801 = arith.constant 7 : index
    %get3A_802 = arith.constant 1 : index
    %get3A_803 = arith.constant 0 : index
    %get3A_804 = arith.constant 0 : index
    %get3A_805 = vector.load %arg4[%get3A_800, %get3A_801, %get3A_802, %get3A_803, %get3A_804] : memref<1x8x3x128x128xf32, #tpu.memory_space<vmem>>, vector<1x1x1x128x128xf32>
    %get3A_806 = vector.shape_cast %get3A_805 : vector<1x1x1x128x128xf32> to vector<128x128xf32>
    %get3A_807 = arith.constant 0 : index
    %get3A_808 = arith.constant 7 : index
    %get3A_809 = arith.constant 2 : index
    %get3A_810 = arith.constant 0 : index
    %get3A_811 = arith.constant 0 : index
    %get3A_812 = vector.load %arg4[%get3A_807, %get3A_808, %get3A_809, %get3A_810, %get3A_811] : memref<1x8x3x128x128xf32, #tpu.memory_space<vmem>>, vector<1x1x1x128x128xf32>
    %get3A_813 = vector.shape_cast %get3A_812 : vector<1x1x1x128x128xf32> to vector<128x128xf32>
    %get3A_814 = arith.constant 0 : index
    %get3A_815 = arith.constant 0 : index
    %get3A_816 = arith.constant 0 : index
    %get3A_817 = arith.constant 0 : index
    %get3A_818 = arith.constant 0 : index
    %get3A_819 = vector.load %arg19[%get3A_814, %get3A_815, %get3A_816, %get3A_817, %get3A_818] : memref<1x1x2x128x128xf32, #tpu.memory_space<vmem>>, vector<1x1x1x128x128xf32>
    %get3A_820 = vector.shape_cast %get3A_819 : vector<1x1x1x128x128xf32> to vector<128x128xf32>
    %dot_general3A_821 = arith.constant dense<0.000000e+00> : vector<128x128xf32>
    %dot_general3A_822 = tpu.matmul %get3A_813, %get3A_820, %dot_general3A_821 {dimension_numbers = #tpu.dot_dimension_numbers<[1], [1], [0], [0], [0, 0, 1, 0], [], []>, transpose_lhs_hint = false} : vector<128x128xf32>, vector<128x128xf32>, vector<128x128xf32> -> vector<128x128xf32>
    %mul3A_823 = arith.constant 0.0883883461 : f32
    %mul3A_824 = arith.mulf %get3A_788, %mul3A_823 : f32
    %mul3A_825 = vector.broadcast %mul3A_824 : f32 to vector<128x128xf32>
    %mul3A_826 = arith.mulf %dot_general3A_822, %mul3A_825 : vector<128x128xf32>
    %get3A_827 = arith.constant 0 : index
    %get3A_828 = arith.constant 0 : index
    %get3A_829 = arith.constant 0 : index
    %get3A_830 = arith.constant 0 : index
    %get3A_831 = arith.constant 0 : index
    %get3A_832 = vector.load %arg20[%get3A_827, %get3A_828, %get3A_829, %get3A_830, %get3A_831] : memref<1x1x2x128x128xf32, #tpu.memory_space<vmem>>, vector<1x1x1x128x128xf32>
    %get3A_833 = vector.shape_cast %get3A_832 : vector<1x1x1x128x128xf32> to vector<128x128xf32>
    %dot_general3A_834 = arith.constant dense<0.000000e+00> : vector<128x128xf32>
    %dot_general3A_835 = tpu.matmul %get3A_813, %get3A_833, %dot_general3A_834 {dimension_numbers = #tpu.dot_dimension_numbers<[1], [1], [0], [0], [0, 0, 1, 0], [], []>, transpose_lhs_hint = false} : vector<128x128xf32>, vector<128x128xf32>, vector<128x128xf32> -> vector<128x128xf32>
    %mul3A_836 = arith.constant 0.0883883461 : f32
    %mul3A_837 = arith.mulf %get3A_792, %mul3A_836 : f32
    %mul3A_838 = vector.broadcast %mul3A_837 : f32 to vector<128x128xf32>
    %mul3A_839 = arith.mulf %dot_general3A_835, %mul3A_838 : vector<128x128xf32>
    %dot_general3A_840 = arith.constant dense<0.000000e+00> : vector<128x128xf32>
    %dot_general3A_841 = tpu.matmul %get3A_813, %get3A_799, %dot_general3A_840 {dimension_numbers = #tpu.dot_dimension_numbers<[1], [1], [0], [0], [0, 0, 1, 0], [], []>, transpose_lhs_hint = false} : vector<128x128xf32>, vector<128x128xf32>, vector<128x128xf32> -> vector<128x128xf32>
    %mul3A_842 = arith.constant 0.0883883461 : f32
    %mul3A_843 = vector.broadcast %mul3A_842 : f32 to vector<128x128xf32>
    %mul3A_844 = arith.mulf %dot_general3A_841, %mul3A_843 : vector<128x128xf32>
    %jit3A_845 = arith.constant -3.40282347E+38 : f32
    %broadcast_in_dim3A_846 = vector.broadcast %jit3A_845 : f32 to vector<128x128xf32>
    %select_n3A_847 = arith.select %gt3A, %broadcast_in_dim3A_846, %mul3A_844 : vector<128x128xi1>, vector<128x128xf32>
    %exp3A_848 = math.exp %mul3A_826 : vector<128x128xf32>
    %exp3A_849 = math.exp %mul3A_839 : vector<128x128xf32>
    %exp3A_850 = math.exp %select_n3A_847 : vector<128x128xf32>
    %reduce_sum3A_851 = arith.constant dense<0.000000e+00> : vector<128xf32>
    %reduce_sum3A_852 = vector.multi_reduction <add>, %exp3A_848, %reduce_sum3A_851 [1] : vector<128x128xf32> to vector<128xf32>
    %reduce_sum3A_853 = arith.constant dense<0.000000e+00> : vector<128xf32>
    %reduce_sum3A_854 = vector.multi_reduction <add>, %exp3A_849, %reduce_sum3A_853 [1] : vector<128x128xf32> to vector<128xf32>
    %add3A_855 = arith.addf %reduce_sum3A_852, %reduce_sum3A_854 : vector<128xf32>
    %reduce_sum3A_856 = arith.constant dense<0.000000e+00> : vector<128xf32>
    %reduce_sum3A_857 = vector.multi_reduction <add>, %exp3A_850, %reduce_sum3A_856 [1] : vector<128x128xf32> to vector<128xf32>
    %add3A_858 = arith.addf %add3A_855, %reduce_sum3A_857 : vector<128xf32>
    %broadcast_in_dim3A_859 = vector.shape_cast %add3A_858 : vector<128xf32> to vector<128x1xf32>
    %get3A_860 = arith.constant 0 : index
    %get3A_861 = arith.constant 0 : index
    %get3A_862 = arith.constant 1 : index
    %get3A_863 = arith.constant 0 : index
    %get3A_864 = arith.constant 0 : index
    %get3A_865 = vector.load %arg19[%get3A_860, %get3A_861, %get3A_862, %get3A_863, %get3A_864] : memref<1x1x2x128x128xf32, #tpu.memory_space<vmem>>, vector<1x1x1x128x128xf32>
    %get3A_866 = vector.shape_cast %get3A_865 : vector<1x1x1x128x128xf32> to vector<128x128xf32>
    %dot_general3A_867 = arith.constant dense<0.000000e+00> : vector<128x128xf32>
    %dot_general3A_868 = tpu.matmul %exp3A_848, %get3A_866, %dot_general3A_867 {dimension_numbers = #tpu.dot_dimension_numbers<[1], [0], [0], [1], [0, 0, 1, 1], [], []>, transpose_lhs_hint = false} : vector<128x128xf32>, vector<128x128xf32>, vector<128x128xf32> -> vector<128x128xf32>
    %mul3A_869 = vector.broadcast %get3A_788 : f32 to vector<128x128xf32>
    %mul3A_870 = arith.mulf %dot_general3A_868, %mul3A_869 : vector<128x128xf32>
    %get3A_871 = arith.constant 0 : index
    %get3A_872 = arith.constant 0 : index
    %get3A_873 = arith.constant 1 : index
    %get3A_874 = arith.constant 0 : index
    %get3A_875 = arith.constant 0 : index
    %get3A_876 = vector.load %arg20[%get3A_871, %get3A_872, %get3A_873, %get3A_874, %get3A_875] : memref<1x1x2x128x128xf32, #tpu.memory_space<vmem>>, vector<1x1x1x128x128xf32>
    %get3A_877 = vector.shape_cast %get3A_876 : vector<1x1x1x128x128xf32> to vector<128x128xf32>
    %dot_general3A_878 = arith.constant dense<0.000000e+00> : vector<128x128xf32>
    %dot_general3A_879 = tpu.matmul %exp3A_849, %get3A_877, %dot_general3A_878 {dimension_numbers = #tpu.dot_dimension_numbers<[1], [0], [0], [1], [0, 0, 1, 1], [], []>, transpose_lhs_hint = false} : vector<128x128xf32>, vector<128x128xf32>, vector<128x128xf32> -> vector<128x128xf32>
    %mul3A_880 = vector.broadcast %get3A_792 : f32 to vector<128x128xf32>
    %mul3A_881 = arith.mulf %dot_general3A_879, %mul3A_880 : vector<128x128xf32>
    %add3A_882 = arith.addf %mul3A_870, %mul3A_881 : vector<128x128xf32>
    %dot_general3A_883 = arith.constant dense<0.000000e+00> : vector<128x128xf32>
    %dot_general3A_884 = tpu.matmul %exp3A_850, %get3A_806, %dot_general3A_883 {dimension_numbers = #tpu.dot_dimension_numbers<[1], [0], [0], [1], [0, 0, 1, 1], [], []>, transpose_lhs_hint = false} : vector<128x128xf32>, vector<128x128xf32>, vector<128x128xf32> -> vector<128x128xf32>
    %add3A_885 = arith.addf %add3A_882, %dot_general3A_884 : vector<128x128xf32>
    %div3A_886 = vector.broadcast %broadcast_in_dim3A_859 : vector<128x1xf32> to vector<128x128xf32>
    %div3A_887 = arith.divf %add3A_885, %div3A_886 : vector<128x128xf32>
    %swap3A_888 = arith.constant 0 : index
    %swap3A_889 = arith.constant 896 : index
    %swap3A_890 = arith.constant 0 : index
    %swap3A_891 = vector.load %arg21[%swap3A_888, %swap3A_889, %swap3A_890] : memref<1x1024x128xf32, #tpu.memory_space<vmem>>, vector<1x128x128xf32>
    %swap3A_892 = vector.shape_cast %swap3A_891 : vector<1x128x128xf32> to vector<128x128xf32>
    %swap3A_893 = vector.shape_cast %div3A_887 : vector<128x128xf32> to vector<1x128x128xf32>
    tpu.vector_store %arg21[%swap3A_888, %swap3A_889, %swap3A_890], %swap3A_893 {strides = array<i32>} : memref<1x1024x128xf32, #tpu.memory_space<vmem>>, vector<1x128x128xf32>,
    return
  }
  func.func @transform_0(%arg0: i32, %arg1: i32, %arg2: memref<32x16x2xi32, #tpu.memory_space<smem>>, %arg3: memref<32x16x2xf32, #tpu.memory_space<smem>>) -> (i32, i32, i32, i32, i32) {
    %c0_i32 = arith.constant 0 : i32
    %c0_i32_0 = arith.constant 0 : i32
    %c0_i32_1 = arith.constant 0 : i32
    %c0_i32_2 = arith.constant 0 : i32
    return %arg0, %arg1, %c0_i32, %c0_i32_0, %c0_i32_1 : i32, i32, i32, i32, i32
  }
  func.func @transform_1(%arg0: i32, %arg1: i32, %arg2: memref<32x16x2xi32, #tpu.memory_space<smem>>, %arg3: memref<32x16x2xf32, #tpu.memory_space<smem>>) -> (i32, i32, i32, i32, i32) {
    %mul3A = arith.constant 8 : i32
    %mul3A_0 = arith.muli %arg1, %mul3A : i32
    %add3A = arith.constant 0 : i32
    %add3A_1 = arith.addi %mul3A_0, %add3A : i32
    %get3A = arith.index_cast %arg0 : i32 to index
    %get3A_2 = arith.index_cast %add3A_1 : i32 to index
    %get3A_3 = arith.constant 0 : index
    %get3A_4 = memref.load %arg2[%get3A, %get3A_2, %get3A_3] : memref<32x16x2xi32, #tpu.memory_space<smem>>
    %c0_i32 = arith.constant 0 : i32
    %c0_i32_5 = arith.constant 0 : i32
    %c0_i32_6 = arith.constant 0 : i32
    %c0_i32_7 = arith.constant 0 : i32
    return %arg0, %get3A_4, %c0_i32, %c0_i32_5, %c0_i32_6 : i32, i32, i32, i32, i32
  }
  func.func @transform_2(%arg0: i32, %arg1: i32, %arg2: memref<32x16x2xi32, #tpu.memory_space<smem>>, %arg3: memref<32x16x2xf32, #tpu.memory_space<smem>>) -> (i32, i32, i32, i32, i32) {
    %mul3A = arith.constant 8 : i32
    %mul3A_0 = arith.muli %arg1, %mul3A : i32
    %add3A = arith.constant 0 : i32
    %add3A_1 = arith.addi %mul3A_0, %add3A : i32
    %get3A = arith.index_cast %arg0 : i32 to index
    %get3A_2 = arith.index_cast %add3A_1 : i32 to index
    %get3A_3 = arith.constant 1 : index
    %get3A_4 = memref.load %arg2[%get3A, %get3A_2, %get3A_3] : memref<32x16x2xi32, #tpu.memory_space<smem>>
    %c0_i32 = arith.constant 0 : i32
    %c0_i32_5 = arith.constant 0 : i32
    %c0_i32_6 = arith.constant 0 : i32
    %c0_i32_7 = arith.constant 0 : i32
    return %arg0, %get3A_4, %c0_i32, %c0_i32_5, %c0_i32_6 : i32, i32, i32, i32, i32
  }
  func.func @transform_3(%arg0: i32, %arg1: i32, %arg2: memref<32x16x2xi32, #tpu.memory_space<smem>>, %arg3: memref<32x16x2xf32, #tpu.memory_space<smem>>) -> (i32, i32, i32, i32, i32) {
    %mul3A = arith.constant 8 : i32
    %mul3A_0 = arith.muli %arg1, %mul3A : i32
    %add3A = arith.constant 1 : i32
    %add3A_1 = arith.addi %mul3A_0, %add3A : i32
    %get3A = arith.index_cast %arg0 : i32 to index
    %get3A_2 = arith.index_cast %add3A_1 : i32 to index
    %get3A_3 = arith.constant 0 : index
    %get3A_4 = memref.load %arg2[%get3A, %get3A_2, %get3A_3] : memref<32x16x2xi32, #tpu.memory_space<smem>>
    %c0_i32 = arith.constant 0 : i32
    %c0_i32_5 = arith.constant 0 : i32
    %c0_i32_6 = arith.constant 0 : i32
    %c0_i32_7 = arith.constant 0 : i32
    return %arg0, %get3A_4, %c0_i32, %c0_i32_5, %c0_i32_6 : i32, i32, i32, i32, i32
  }
  func.func @transform_4(%arg0: i32, %arg1: i32, %arg2: memref<32x16x2xi32, #tpu.memory_space<smem>>, %arg3: memref<32x16x2xf32, #tpu.memory_space<smem>>) -> (i32, i32, i32, i32, i32) {
    %mul3A = arith.constant 8 : i32
    %mul3A_0 = arith.muli %arg1, %mul3A : i32
    %add3A = arith.constant 1 : i32
    %add3A_1 = arith.addi %mul3A_0, %add3A : i32
    %get3A = arith.index_cast %arg0 : i32 to index
    %get3A_2 = arith.index_cast %add3A_1 : i32 to index
    %get3A_3 = arith.constant 1 : index
    %get3A_4 = memref.load %arg2[%get3A, %get3A_2, %get3A_3] : memref<32x16x2xi32, #tpu.memory_space<smem>>
    %c0_i32 = arith.constant 0 : i32
    %c0_i32_5 = arith.constant 0 : i32
    %c0_i32_6 = arith.constant 0 : i32
    %c0_i32_7 = arith.constant 0 : i32
    return %arg0, %get3A_4, %c0_i32, %c0_i32_5, %c0_i32_6 : i32, i32, i32, i32, i32
  }
  func.func @transform_5(%arg0: i32, %arg1: i32, %arg2: memref<32x16x2xi32, #tpu.memory_space<smem>>, %arg3: memref<32x16x2xf32, #tpu.memory_space<smem>>) -> (i32, i32, i32, i32, i32) {
    %mul3A = arith.constant 8 : i32
    %mul3A_0 = arith.muli %arg1, %mul3A : i32
    %add3A = arith.constant 2 : i32
    %add3A_1 = arith.addi %mul3A_0, %add3A : i32
    %get3A = arith.index_cast %arg0 : i32 to index
    %get3A_2 = arith.index_cast %add3A_1 : i32 to index
    %get3A_3 = arith.constant 0 : index
    %get3A_4 = memref.load %arg2[%get3A, %get3A_2, %get3A_3] : memref<32x16x2xi32, #tpu.memory_space<smem>>
    %c0_i32 = arith.constant 0 : i32
    %c0_i32_5 = arith.constant 0 : i32
    %c0_i32_6 = arith.constant 0 : i32
    %c0_i32_7 = arith.constant 0 : i32
    return %arg0, %get3A_4, %c0_i32, %c0_i32_5, %c0_i32_6 : i32, i32, i32, i32, i32
  }
  func.func @transform_6(%arg0: i32, %arg1: i32, %arg2: memref<32x16x2xi32, #tpu.memory_space<smem>>, %arg3: memref<32x16x2xf32, #tpu.memory_space<smem>>) -> (i32, i32, i32, i32, i32) {
    %mul3A = arith.constant 8 : i32
    %mul3A_0 = arith.muli %arg1, %mul3A : i32
    %add3A = arith.constant 2 : i32
    %add3A_1 = arith.addi %mul3A_0, %add3A : i32
    %get3A = arith.index_cast %arg0 : i32 to index
    %get3A_2 = arith.index_cast %add3A_1 : i32 to index
    %get3A_3 = arith.constant 1 : index
    %get3A_4 = memref.load %arg2[%get3A, %get3A_2, %get3A_3] : memref<32x16x2xi32, #tpu.memory_space<smem>>
    %c0_i32 = arith.constant 0 : i32
    %c0_i32_5 = arith.constant 0 : i32
    %c0_i32_6 = arith.constant 0 : i32
    %c0_i32_7 = arith.constant 0 : i32
    return %arg0, %get3A_4, %c0_i32, %c0_i32_5, %c0_i32_6 : i32, i32, i32, i32, i32
  }
  func.func @transform_7(%arg0: i32, %arg1: i32, %arg2: memref<32x16x2xi32, #tpu.memory_space<smem>>, %arg3: memref<32x16x2xf32, #tpu.memory_space<smem>>) -> (i32, i32, i32, i32, i32) {
    %mul3A = arith.constant 8 : i32
    %mul3A_0 = arith.muli %arg1, %mul3A : i32
    %add3A = arith.constant 3 : i32
    %add3A_1 = arith.addi %mul3A_0, %add3A : i32
    %get3A = arith.index_cast %arg0 : i32 to index
    %get3A_2 = arith.index_cast %add3A_1 : i32 to index
    %get3A_3 = arith.constant 0 : index
    %get3A_4 = memref.load %arg2[%get3A, %get3A_2, %get3A_3] : memref<32x16x2xi32, #tpu.memory_space<smem>>
    %c0_i32 = arith.constant 0 : i32
    %c0_i32_5 = arith.constant 0 : i32
    %c0_i32_6 = arith.constant 0 : i32
    %c0_i32_7 = arith.constant 0 : i32
    return %arg0, %get3A_4, %c0_i32, %c0_i32_5, %c0_i32_6 : i32, i32, i32, i32, i32
  }
  func.func @transform_8(%arg0: i32, %arg1: i32, %arg2: memref<32x16x2xi32, #tpu.memory_space<smem>>, %arg3: memref<32x16x2xf32, #tpu.memory_space<smem>>) -> (i32, i32, i32, i32, i32) {
    %mul3A = arith.constant 8 : i32
    %mul3A_0 = arith.muli %arg1, %mul3A : i32
    %add3A = arith.constant 3 : i32
    %add3A_1 = arith.addi %mul3A_0, %add3A : i32
    %get3A = arith.index_cast %arg0 : i32 to index
    %get3A_2 = arith.index_cast %add3A_1 : i32 to index
    %get3A_3 = arith.constant 1 : index
    %get3A_4 = memref.load %arg2[%get3A, %get3A_2, %get3A_3] : memref<32x16x2xi32, #tpu.memory_space<smem>>
    %c0_i32 = arith.constant 0 : i32
    %c0_i32_5 = arith.constant 0 : i32
    %c0_i32_6 = arith.constant 0 : i32
    %c0_i32_7 = arith.constant 0 : i32
    return %arg0, %get3A_4, %c0_i32, %c0_i32_5, %c0_i32_6 : i32, i32, i32, i32, i32
  }
  func.func @transform_9(%arg0: i32, %arg1: i32, %arg2: memref<32x16x2xi32, #tpu.memory_space<smem>>, %arg3: memref<32x16x2xf32, #tpu.memory_space<smem>>) -> (i32, i32, i32, i32, i32) {
    %mul3A = arith.constant 8 : i32
    %mul3A_0 = arith.muli %arg1, %mul3A : i32
    %add3A = arith.constant 4 : i32
    %add3A_1 = arith.addi %mul3A_0, %add3A : i32
    %get3A = arith.index_cast %arg0 : i32 to index
    %get3A_2 = arith.index_cast %add3A_1 : i32 to index
    %get3A_3 = arith.constant 0 : index
    %get3A_4 = memref.load %arg2[%get3A, %get3A_2, %get3A_3] : memref<32x16x2xi32, #tpu.memory_space<smem>>
    %c0_i32 = arith.constant 0 : i32
    %c0_i32_5 = arith.constant 0 : i32
    %c0_i32_6 = arith.constant 0 : i32
    %c0_i32_7 = arith.constant 0 : i32
    return %arg0, %get3A_4, %c0_i32, %c0_i32_5, %c0_i32_6 : i32, i32, i32, i32, i32
  }
  func.func @transform_10(%arg0: i32, %arg1: i32, %arg2: memref<32x16x2xi32, #tpu.memory_space<smem>>, %arg3: memref<32x16x2xf32, #tpu.memory_space<smem>>) -> (i32, i32, i32, i32, i32) {
    %mul3A = arith.constant 8 : i32
    %mul3A_0 = arith.muli %arg1, %mul3A : i32
    %add3A = arith.constant 4 : i32
    %add3A_1 = arith.addi %mul3A_0, %add3A : i32
    %get3A = arith.index_cast %arg0 : i32 to index
    %get3A_2 = arith.index_cast %add3A_1 : i32 to index
    %get3A_3 = arith.constant 1 : index
    %get3A_4 = memref.load %arg2[%get3A, %get3A_2, %get3A_3] : memref<32x16x2xi32, #tpu.memory_space<smem>>
    %c0_i32 = arith.constant 0 : i32
    %c0_i32_5 = arith.constant 0 : i32
    %c0_i32_6 = arith.constant 0 : i32
    %c0_i32_7 = arith.constant 0 : i32
    return %arg0, %get3A_4, %c0_i32, %c0_i32_5, %c0_i32_6 : i32, i32, i32, i32, i32
  }
  func.func @transform_11(%arg0: i32, %arg1: i32, %arg2: memref<32x16x2xi32, #tpu.memory_space<smem>>, %arg3: memref<32x16x2xf32, #tpu.memory_space<smem>>) -> (i32, i32, i32, i32, i32) {
    %mul3A = arith.constant 8 : i32
    %mul3A_0 = arith.muli %arg1, %mul3A : i32
    %add3A = arith.constant 5 : i32
    %add3A_1 = arith.addi %mul3A_0, %add3A : i32
    %get3A = arith.index_cast %arg0 : i32 to index
    %get3A_2 = arith.index_cast %add3A_1 : i32 to index
    %get3A_3 = arith.constant 0 : index
    %get3A_4 = memref.load %arg2[%get3A, %get3A_2, %get3A_3] : memref<32x16x2xi32, #tpu.memory_space<smem>>
    %c0_i32 = arith.constant 0 : i32
    %c0_i32_5 = arith.constant 0 : i32
    %c0_i32_6 = arith.constant 0 : i32
    %c0_i32_7 = arith.constant 0 : i32
    return %arg0, %get3A_4, %c0_i32, %c0_i32_5, %c0_i32_6 : i32, i32, i32, i32, i32
  }
  func.func @transform_12(%arg0: i32, %arg1: i32, %arg2: memref<32x16x2xi32, #tpu.memory_space<smem>>, %arg3: memref<32x16x2xf32, #tpu.memory_space<smem>>) -> (i32, i32, i32, i32, i32) {
    %mul3A = arith.constant 8 : i32
    %mul3A_0 = arith.muli %arg1, %mul3A : i32
    %add3A = arith.constant 5 : i32
    %add3A_1 = arith.addi %mul3A_0, %add3A : i32
    %get3A = arith.index_cast %arg0 : i32 to index
    %get3A_2 = arith.index_cast %add3A_1 : i32 to index
    %get3A_3 = arith.constant 1 : index
    %get3A_4 = memref.load %arg2[%get3A, %get3A_2, %get3A_3] : memref<32x16x2xi32, #tpu.memory_space<smem>>
    %c0_i32 = arith.constant 0 : i32
    %c0_i32_5 = arith.constant 0 : i32
    %c0_i32_6 = arith.constant 0 : i32
    %c0_i32_7 = arith.constant 0 : i32
    return %arg0, %get3A_4, %c0_i32, %c0_i32_5, %c0_i32_6 : i32, i32, i32, i32, i32
  }
  func.func @transform_13(%arg0: i32, %arg1: i32, %arg2: memref<32x16x2xi32, #tpu.memory_space<smem>>, %arg3: memref<32x16x2xf32, #tpu.memory_space<smem>>) -> (i32, i32, i32, i32, i32) {
    %mul3A = arith.constant 8 : i32
    %mul3A_0 = arith.muli %arg1, %mul3A : i32
    %add3A = arith.constant 6 : i32
    %add3A_1 = arith.addi %mul3A_0, %add3A : i32
    %get3A = arith.index_cast %arg0 : i32 to index
    %get3A_2 = arith.index_cast %add3A_1 : i32 to index
    %get3A_3 = arith.constant 0 : index
    %get3A_4 = memref.load %arg2[%get3A, %get3A_2, %get3A_3] : memref<32x16x2xi32, #tpu.memory_space<smem>>
    %c0_i32 = arith.constant 0 : i32
    %c0_i32_5 = arith.constant 0 : i32
    %c0_i32_6 = arith.constant 0 : i32
    %c0_i32_7 = arith.constant 0 : i32
    return %arg0, %get3A_4, %c0_i32, %c0_i32_5, %c0_i32_6 : i32, i32, i32, i32, i32
  }
  func.func @transform_14(%arg0: i32, %arg1: i32, %arg2: memref<32x16x2xi32, #tpu.memory_space<smem>>, %arg3: memref<32x16x2xf32, #tpu.memory_space<smem>>) -> (i32, i32, i32, i32, i32) {
    %mul3A = arith.constant 8 : i32
    %mul3A_0 = arith.muli %arg1, %mul3A : i32
    %add3A = arith.constant 6 : i32
    %add3A_1 = arith.addi %mul3A_0, %add3A : i32
    %get3A = arith.index_cast %arg0 : i32 to index
    %get3A_2 = arith.index_cast %add3A_1 : i32 to index
    %get3A_3 = arith.constant 1 : index
    %get3A_4 = memref.load %arg2[%get3A, %get3A_2, %get3A_3] : memref<32x16x2xi32, #tpu.memory_space<smem>>
    %c0_i32 = arith.constant 0 : i32
    %c0_i32_5 = arith.constant 0 : i32
    %c0_i32_6 = arith.constant 0 : i32
    %c0_i32_7 = arith.constant 0 : i32
    return %arg0, %get3A_4, %c0_i32, %c0_i32_5, %c0_i32_6 : i32, i32, i32, i32, i32
  }
  func.func @transform_15(%arg0: i32, %arg1: i32, %arg2: memref<32x16x2xi32, #tpu.memory_space<smem>>, %arg3: memref<32x16x2xf32, #tpu.memory_space<smem>>) -> (i32, i32, i32, i32, i32) {
    %mul3A = arith.constant 8 : i32
    %mul3A_0 = arith.muli %arg1, %mul3A : i32
    %add3A = arith.constant 7 : i32
    %add3A_1 = arith.addi %mul3A_0, %add3A : i32
    %get3A = arith.index_cast %arg0 : i32 to index
    %get3A_2 = arith.index_cast %add3A_1 : i32 to index
    %get3A_3 = arith.constant 0 : index
    %get3A_4 = memref.load %arg2[%get3A, %get3A_2, %get3A_3] : memref<32x16x2xi32, #tpu.memory_space<smem>>
    %c0_i32 = arith.constant 0 : i32
    %c0_i32_5 = arith.constant 0 : i32
    %c0_i32_6 = arith.constant 0 : i32
    %c0_i32_7 = arith.constant 0 : i32
    return %arg0, %get3A_4, %c0_i32, %c0_i32_5, %c0_i32_6 : i32, i32, i32, i32, i32
  }
  func.func @transform_16(%arg0: i32, %arg1: i32, %arg2: memref<32x16x2xi32, #tpu.memory_space<smem>>, %arg3: memref<32x16x2xf32, #tpu.memory_space<smem>>) -> (i32, i32, i32, i32, i32) {
    %mul3A = arith.constant 8 : i32
    %mul3A_0 = arith.muli %arg1, %mul3A : i32
    %add3A = arith.constant 7 : i32
    %add3A_1 = arith.addi %mul3A_0, %add3A : i32
    %get3A = arith.index_cast %arg0 : i32 to index
    %get3A_2 = arith.index_cast %add3A_1 : i32 to index
    %get3A_3 = arith.constant 1 : index
    %get3A_4 = memref.load %arg2[%get3A, %get3A_2, %get3A_3] : memref<32x16x2xi32, #tpu.memory_space<smem>>
    %c0_i32 = arith.constant 0 : i32
    %c0_i32_5 = arith.constant 0 : i32
    %c0_i32_6 = arith.constant 0 : i32
    %c0_i32_7 = arith.constant 0 : i32
    return %arg0, %get3A_4, %c0_i32, %c0_i32_5, %c0_i32_6 : i32, i32, i32, i32, i32
  }
  func.func @transform_17(%arg0: i32, %arg1: i32, %arg2: memref<32x16x2xi32, #tpu.memory_space<smem>>, %arg3: memref<32x16x2xf32, #tpu.memory_space<smem>>) -> (i32, i32, i32) {
    %c0_i32 = arith.constant 0 : i32
    %c0_i32_0 = arith.constant 0 : i32
    return %arg0, %arg1, %c0_i32 : i32, i32, i32
  }
}

</mosaic_0001>

<sc_bundles>
// kernel: sparse-core-data-format-call.1.cloned.1.call-start
scs
called_computation.1_lowered:
.L_overlay_start_0:
0x0: {  	s2 =	sld [smem:$0x3FD9]  }
0x1: {  	s3 =	sld [smem:$0x3FFE];
	_ =	sdelay $0x1  }
0x2: {  	s1 =	srdreg.scid  }
0x3: {  	s0 =	sand.u32 $0x1, s1  }
0x4: {  	s18 =	sshll.u32 s0, $0xA;
	s2 =	sadd.s32 s3, s2  }
0x5: {  	s2 =	sadd.s32 s2, s18  }
0x6: {  	[smem:$0x3FC3] =	sst s2  }
0x7: {  	_ = 	snop  }
0x8: {  	s2 =	sld [smem:$0x3FD0];
	(tm) =	ssettm $0x1  }
0x9: {  	s19 =	sld [smem:$0x3FFB];
	_ =	sdelay $0x3  }
0xa: {  	_ =	strace s19  }
0xb: {  	s3 =	sld [smem:$0x3FFC];
	_ =	sdelay $0x3  }
0xc: {  	_ =	strace s3  }
0xd: {  	s3 =	sld [smem:$0x3FFD];
	_ =	sdelay $0x3  }
0xe: {  	_ =	strace s3  }
0xf: {  	_ =	strace $0x8FFFFFFF  }
0x10: {  	s20 =	sld [smem:$0x3FDB];
	_ =	sdelay $0x1  }
0x11: {  	s4 =	simm.s32 $_scs_section_size  }
0x12: {  	s5 =	simm.s32 $_size__tile_overlayer_lowered;
	s6 =	simm.s32 $_tile_overlayer_lowered  }
0x13: {  	s23 =	simm.s32 $0x1BFF;
	s22 =	sshll.u32 s6, $0x1;
	s3 =	sadd.s32 s4, s20  }
0x14: {  	s7 =	simm.s32 $0x0;
	s21 =	sshll.u32 s5, $0x1;
	s5 =	sadd.s32 s22, s3  }
0x15: {  	[timem:s7], [sflag:s23] =	dma.local [hbm:s5], s21  }
0x16: {  	_ =	swait.ge [sflag:s23], s21  }
0x17: {  	s4 =	ssub.s32 $0x0, s21;
	[sflag:s23] =	ssyncset.done $0x0  }
0x18: {  	[sflag:s23] =	ssyncadd.s32 s4;
	_ =	sdelay $0x1  }
0x19: {  	s24 =	simm.s32 $0x1B8B  }
0x1a: {  	_ =	swait.ge [sflag:s24], $0x1  }
0x1b: {  	[sflag:s24] =	ssyncset.done $0x0  }
0x1c: {  	s26 =	simm.s32 $0x1B8E;
	s25 =	sld [smem:$0x3FFE];
	[sflag:s24] =	ssyncadd.s32 $0xFFFFFFFF  }
0x1d: {  	s27 =	simm.s32 $execute0_lowered;
	[smem:$0x3FD2] =	sst s26  }
0x1e: {  	s5 =	sshll.u32 s27, $0x1;
	_ =	strace $0x80000046;
	[dreg:$0x1] =	wrdreg $0xFFFFFFFF  }
0x1f: {  	s28 =	simm.s32 $_size_execute0_lowered;
	s3 =	sadd.s32 s3, s5;
	[dreg:$0x0] =	wrdreg $0x0  }
0x20: {  	s5 =	sshll.u32 s28, $0x1;
	[dreg:$0x2] =	wrdreg s3  }
0x21: {  	[dreg:$0x3] =	wrdreg s5  }
0x22: {  	[dreg:$0x4] =	wrdreg $0xC0  }
0x23: {  	_ =	task [dreg:s7], $0x5FFFF  }
0x24: {  	[dreg:$0x1] =	wrdreg $0xFFFFFFFF  }
0x25: {  	[dreg:$0x0] =	wrdreg $0x60  }
0x26: {  	[dreg:$0x2] =	wrdreg s2  }
0x27: {  	[dreg:$0x3] =	wrdreg s25  }
0x28: {  	[dreg:$0x4] =	wrdreg $0xA  }
0x29: {  	_ =	task.clear_ibuf [dreg:s7], $0x5FFFF;
	_ =	strace $0x90000046  }
0x2a: {  	s29 =	simm.s32 $0xA;
	_ =	strace $0x80000048  }
0x2b: {  	_ =	swait.ge [sflag:s29], $0x1  }
0x2c: {  	[sflag:s29] =	ssyncadd.s32 $0xFFFFFFFF  }
0x2d: {  	_ =	strace $0x90000048  }
0x2e: {  	_ =	sfence  }
0x2f: {  	s30 =	sld [smem:$0x0];
	_ =	sdelay $0x2  }
0x30: {  	s31 =	sshll.u32 s1, $0xD;
	s1 =	sshrl.u32 s1, $0x2  }
0x31: {  	s3 =	sand.u32 $0x4000, s31;
	s1 =	sadd.s32 s1, s30  }
0x32: {  	s0 =	sor.u32 s3, s0;
	s1 =	sshll.u32 s1, $0x11  }
0x33: {  	s0 =	sor.u32 s1, s0  }
0x34: {  	s0 =	sadd.s32 $0x8F2B, s0  }
0x35: {  	[sflag:s0] =	ssyncadd.remote.s32 $0x1  }
0x36: {  	_ =	sfence.sel $0xFFFF  }
0x37: {  	[dreg:$0x0] =	wrdreg $0xFFFFFFFF;
	(pc) =	sbr.abs _section_cstart, $3  }
0x38: {  	[dreg:$0x1] =	wrdreg $0xFFFFFFFF  }
0x39: {  	_ =	task.clear_ibuf [dreg:s7], $0x2FFFF;
	_ =	strace $0x9FFFFFFF  }
0x3a: {  	(tm) =	ssettm $0x7FFFFFFF  }
0x3b: {  	_ =	shalt  }
tec
execute0_lowered:
.L_overlay_start_1:
0x0: {  	(tag) =	ssettag $0x1  }
0x1: {  	s2 =	rddreg [dreg:$0x0]  }
0x2: {  	s3 =	rddreg [dreg:$0x1]  }
0x3: {  	s0 =	rddreg [dreg:$0x2];
	_ =	strace $0x80000047  }
0x4: {  	s4 =	srdreg.scid;
	s1 =	stileid.u32;
	s6 =	simm.s32 $0x2  }
.Ltmp0:
0x5: {  	s11 =	simm.s32 $0x0;
	p0 =	por $0x0, $0x0;
	(pc) =	sbr.rel .LBB1_1-.Ltmp0, $4  }
0x6: {  	s7 =	simm.s32 $0x4000;
	s12 =	simm.s32 $0x0;
	s5 =	sshll.u32 s4, $0x4  }
0x7: {  	s9 =	simm.s32 $0x0;
	s4 =	simm.s32 $0x1;
	s5 =	sand.u32 $0x10, s5  }
0x8: {  	s8 =	simm.s32 $0x0;
	[sflag:s4] =	ssyncpa.u1 $0x0;
	s5 =	sor.u32 s1, s5  }
0x9: {  	[sflag:s6] =	ssyncpa.u1 $0x0;
	s6 =	simm.s32 $0x400;
	s10 =	smov.u32 s5  }
.LBB1_7:
0xa: {  	s13 =	sadd.s32 $0x8, s9  }
0xb: {  	s11 =	sadd.s32 $0x20, s10;
	s15 =	smov.u32 s10;
	p2 =	sgt.s32 s13, $0x7F  }
0xc: {  	p1 =	slt.u32 s8, $0x2;
	s15 =	smov.u32 @p2 s11  }
0xd: {  	s8 =	sadd.s32 $0x1, s8;
	s13 =	simm.s32 @p2 $0x0;
	p2 =	sgt.s32 s15, $0x1F  }
0xe: {  	s15 =	smov.u32 @p2 s5;
	p2 =	sne.s32 s8, $0x12  }
.Ltmp1:
0xf: {  	_ = 	snop;
	(pc) =	sbr.rel @!p2 .LBB1_8-.Ltmp1, $4  }
0x10: {  	s14 =	simm.s32 @!p1 $0x2  }
0x11: {  	s12 =	smov.u32 s10;
	_ =	swait.ge @!p1 [sflag:s14], $0x4000  }
0x12: {  	p0 =	por !p0, !p0;
	s11 =	smov.u32 s9;
	[sflag:s14] =	ssyncset.done @!p1 $0x0  }
0x13: {  	s9 =	smov.u32 s13;
	[sflag:s14] =	ssyncadd.s32 @!p1 $0xFFFFC000;
	s10 =	smov.u32 s15  }
.LBB1_1:
0x14: {  	p1 =	sgt.u32 s8, $0xF  }
0x15: {  	s13 =	sxor.u32 @!p1 $0xFFFFFFFF, s8;
	s14 =	sshll.u32 @!p1 s10, $0xF  }
0x16: {  	s15 =	sshll.u32 @!p1 s9, $0x8;
	s13 =	sshll.u32 @!p1 s13, $0xE;
	s14 =	sadd.s32 @!p1 s2, s14  }
0x17: {  	s13 =	sand.u32 @!p1 $0x4000, s13;
	s14 =	sadd.s32 @!p1 s15, s14;
	s15 =	simm.s32 @!p1 $0x0  }
0x18: {  	[tilespmem:s13], [sflag:$0x1] =	stream.linear.gather @!p1 [hbm4b:s14+s15], $0x4000, $0x38;
	[tilespmem:$0x10000] =	vst v63  }
0x19: {  	p1 =	seq.s32 s8, $0x0  }
0x1a: {  	p2 =	seq.s32 @!p1 s8, $0x11  }
0x1b: {  	p1 =	por p1, p2  }
.Ltmp2:
0x1c: {  	_ = 	snop;
	(pc) =	sbr.rel @p1 .LBB1_7-.Ltmp2, $1  }
0x1d: {  	_ =	sdelay $0x3  }
0x1e: {  	s13 =	simm.s32 $0x1;
	_ =	swait.ge [sflag:s4], $0x4000;
	s16 =	sshll.u32 s8, $0xE  }
0x1f: {  	s13 =	simm.s32 @!p0 $0x0;
	[sflag:s4] =	ssyncset.done $0x0;
	s31 =	sand.u32 $0x4000, s16  }
0x20: {  	s16 =	simm.s32 $0x0;
	s14 =	sshll.u32 s13, $0xE;
	[sflag:s4] =	ssyncadd.s32 $0xFFFFC000  }
0x21: {  	s13 =	sor.u32 $0x8040, s14;
	s15 =	sor.u32 $0x40, s14;
	s14 =	sor.u32 $0x8000, s31  }
.LBB1_3:
0x22: {  	v0 =	vmov s15;
	_ =	sdelay $0x3  }
0x23: {  	s18 =	simm.s32 $0x0  }
0x24: {  	v6 =	vld.idx.msk [tilespmem:v0+s18+$0x30 ss:$0x1], $0xffff  }
0x25: {  	v7 =	vld.idx.msk [tilespmem:v0+s18+$0xFFFFFFC0 ss:$0x1], $0xffff  }
0x26: {  	v5 =	vld.idx.msk [tilespmem:v0+s18+$0xFFFFFFD0 ss:$0x1], $0xffff  }
0x27: {  	v4 =	vld.idx.msk [tilespmem:v0+s18+$0xFFFFFFE0 ss:$0x1], $0xffff  }
0x28: {  	v3 =	vld.idx.msk [tilespmem:v0+s18+$0xFFFFFFF0 ss:$0x1], $0xffff  }
0x29: {  	v1 =	vld.idx.msk [tilespmem:v0+s18+$0x0 ss:$0x1], $0xffff  }
0x2a: {  	v2 =	vld.idx.msk [tilespmem:v0+s18+$0x10 ss:$0x1], $0xffff;
	[tilespmem:s13+$0x30] =	vst v6  }
0x2b: {  	s17 =	simm.s32 $0x80;
	s19 =	simm.s32 $0x400;
	[tilespmem:s13+$0xFFFFFFC0] =	vst v7;
	v6 =	vld.idx.msk [tilespmem:v0+s18+$0x20 ss:$0x1], $0xffff;
	s18 =	smov.u32 s13  }
.LBB1_4:
0x2c: {  	p1 =	sne.s32 s19, $0x1E00;
	v7 =	vld.idx.msk [tilespmem:v0+s17+$0x30 ss:$0x1], $0xffff;
	[tilespmem:s18+$0xFFFFFFD0] =	vst v5  }
0x2d: {  	v8 =	vld.idx.msk [tilespmem:v0+s17+$0xFFFFFFC0 ss:$0x1], $0xffff;
	[tilespmem:s18+$0xFFFFFFE0] =	vst v4  }
0x2e: {  	v5 =	vld.idx.msk [tilespmem:v0+s17+$0xFFFFFFD0 ss:$0x1], $0xffff;
	[tilespmem:s18+$0xFFFFFFF0] =	vst v3  }
.Ltmp3:
0x2f: {  	v4 =	vld.idx.msk [tilespmem:v0+s17+$0xFFFFFFE0 ss:$0x1], $0xffff;
	[tilespmem:s18+$0x0] =	vst v1;
	(pc) =	sbr.rel @p1 .LBB1_4-.Ltmp3, $4  }
0x30: {  	v3 =	vld.idx.msk [tilespmem:v0+s17+$0xFFFFFFF0 ss:$0x1], $0xffff;
	[tilespmem:s18+$0x10] =	vst v2  }
0x31: {  	v1 =	vld.idx.msk [tilespmem:v0+s17+$0x0 ss:$0x1], $0xffff;
	[tilespmem:s18+$0x20] =	vst v6;
	s18 =	sadd.s32 $0x400, s18  }
0x32: {  	v2 =	vld.idx.msk [tilespmem:v0+s17+$0x10 ss:$0x1], $0xffff;
	[tilespmem:s18+$0x30] =	vst v7  }
0x33: {  	[tilespmem:s18+$0xFFFFFFC0] =	vst v8;
	v6 =	vld.idx.msk [tilespmem:v0+s17+$0x20 ss:$0x1], $0xffff;
	s17 =	sshra.s32 s19, $0x2;
	s19 =	sadd.s32 $0x200, s19  }
0x34: {  	_ =	sdelay $0x2  }
0x35: {  	[tilespmem:s18+$0xFFFFFFD0] =	vst v5  }
0x36: {  	v56 =	vld.idx.msk [tilespmem:v0+s17+$0x30 ss:$0x1], $0xffff;
	[tilespmem:s18+$0xFFFFFFE0] =	vst v4  }
0x37: {  	v57 =	vld.idx.msk [tilespmem:v0+s17+$0xFFFFFFC0 ss:$0x1], $0xffff;
	[tilespmem:s18+$0xFFFFFFF0] =	vst v3  }
0x38: {  	v58 =	vld.idx.msk [tilespmem:v0+s17+$0xFFFFFFD0 ss:$0x1], $0xffff;
	[tilespmem:s18+$0x0] =	vst v1  }
0x39: {  	v59 =	vld.idx.msk [tilespmem:v0+s17+$0xFFFFFFE0 ss:$0x1], $0xffff;
	[tilespmem:s18+$0x10] =	vst v2  }
0x3a: {  	v60 =	vld.idx.msk [tilespmem:v0+s17+$0xFFFFFFF0 ss:$0x1], $0xffff;
	s31 =	sadd.s32 $0x400, s18;
	[tilespmem:s18+$0x20] =	vst v6  }
0x3b: {  	v61 =	vld.idx.msk [tilespmem:v0+s17+$0x0 ss:$0x1], $0xffff;
	[tilespmem:s31+$0x30] =	vst v56  }
0x3c: {  	v62 =	vld.idx.msk [tilespmem:v0+s17+$0x10 ss:$0x1], $0xffff;
	s16 =	sadd.s32 $0x1, s16;
	[tilespmem:s31+$0xFFFFFFC0] =	vst v57  }
0x3d: {  	v63 =	vld.idx.msk [tilespmem:v0+s17+$0x20 ss:$0x1], $0xffff;
	p1 =	sne.s32 s16, $0x8;
	[tilespmem:s31+$0xFFFFFFD0] =	vst v58  }
.Ltmp4:
0x3e: {  	[tilespmem:s31+$0xFFFFFFE0] =	vst v59;
	(pc) =	sbr.rel @p1 .LBB1_3-.Ltmp4, $4  }
0x3f: {  	[tilespmem:s31+$0xFFFFFFF0] =	vst v60  }
0x40: {  	[tilespmem:s31+$0x0] =	vst v61  }
0x41: {  	[tilespmem:s31+$0x10] =	vst v62  }
0x42: {  	s13 =	sadd.s32 $0x80, s13;
	s15 =	sadd.s32 $0x800, s15;
	[tilespmem:s31+$0x20] =	vst v63  }
.Ltmp5:
0x43: {  	(pc) =	sbr.rel .LBB1_7-.Ltmp5, $4  }
0x44: {  	s12 =	sshll.u32 s12, $0xF;
	s11 =	sshll.u32 s11, $0x4  }
0x45: {  	s11 =	sand.u32 $0x7F0, s11;
	s12 =	sadd.s32 s3, s12  }
0x46: {  	s11 =	sadd.s32 s11, s12  }
0x47: {  	[hbm4b:s11+s6] =	stream.strided.scatter [tilespmem:s14], [sflag:$0x2], $0x4000, s7, s6, $0x38;
	[tilespmem:$0x10000] =	vst v63  }
.LBB1_8:
0x48: {  	_ =	sfence.sel $0x180000  }
0x49: {  	s2 =	simm.s32 $0x1;
	[bflag:$0x0] =	sbarrier.arrive $0xFFFF  }
0x4a: {  	s31 =	simm.s32 $0x2;
	[sflag:s2] =	ssyncpa.u1 $0x1  }
0x4b: {  	[sflag:s31] =	ssyncpa.u1 $0x1  }
0x4c: {  	p0 =	sne.s32 s1, $0x0;
	_ =	strace $0x90000047  }
0x4d: {  	s0 =	sadd.s32 @!p0 $0x100000, s0;
	[bflag:$0x2] =	sbarrier.arrive $0xFFFF  }
0x4e: {  	[sflag:s0] =	ssyncadd.tile.s32 @!p0 $0x1;
	_ =	shalt  }
.Lfunc_end1:
_tile_overlayer_lowered:
.L_overlay_start_2:
0x4f: {  	(tag) =	ssettag $0x2  }
0x50: {  	s0 =	rddreg [dreg:$0x0];
	s2 =	stileid.u32  }
0x51: {  	s1 =	rddreg [dreg:$0x1];
	p0 =	sne.s32 s2, $0x0  }
0x52: {  	s3 =	rddreg [dreg:$0x2];
	[bflag:$0x3] =	sbarrier.arrive $0xFFFF;
	s2 =	simm.s32 @!p0 $0x1C01  }
0x53: {  	[timem:s3], [sflag:s2] =	dma.local @!p0 [hbm:s0], s1  }
0x54: {  	s0 =	simm.s32 @!p0 $0x1  }
0x55: {  	_ =	swait.ge @!p0 [sflag:s0], s1  }
0x56: {  	s1 =	ssub.s32 @!p0 $0x0, s1;
	[sflag:s0] =	ssyncset.done @!p0 $0x0  }
0x57: {  	[sflag:s0] =	ssyncadd.s32 @!p0 s1  }
0x58: {  	[bflag:$0x3] =	sbarrier.arrive $0xFFFF  }
0x59: {  	_ =	shalt  }

// kernel: sparse-core-data-format-call.cloned.1.call-start
scs
called_computation_lowered:
.L_overlay_start_0:
0x0: {  	s2 =	sld [smem:$0x3FD9]  }
0x1: {  	s3 =	sld [smem:$0x3FFE];
	_ =	sdelay $0x1  }
0x2: {  	s1 =	srdreg.scid  }
0x3: {  	s0 =	sand.u32 $0x1, s1  }
0x4: {  	s18 =	sshll.u32 s0, $0xA;
	s2 =	sadd.s32 s3, s2  }
0x5: {  	s2 =	sadd.s32 s2, s18  }
0x6: {  	[smem:$0x3FC3] =	sst s2  }
0x7: {  	_ = 	snop  }
0x8: {  	(tm) =	ssettm $0x1  }
0x9: {  	s19 =	sld [smem:$0x3FFB];
	_ =	sdelay $0x3  }
0xa: {  	_ =	strace s19  }
0xb: {  	s2 =	sld [smem:$0x3FFC];
	_ =	sdelay $0x3  }
0xc: {  	_ =	strace s2  }
0xd: {  	s2 =	sld [smem:$0x3FFD];
	_ =	sdelay $0x3  }
0xe: {  	_ =	strace s2  }
0xf: {  	_ =	strace $0x8FFFFFFF  }
0x10: {  	s20 =	sld [smem:$0x3FDB];
	_ =	sdelay $0x1  }
0x11: {  	s21 =	simm.s32 $_scs_section_size  }
0x12: {  	s4 =	simm.s32 $_size__tile_overlayer_lowered;
	s5 =	simm.s32 $_tile_overlayer_lowered  }
0x13: {  	s6 =	simm.s32 $0x1BFF;
	s22 =	sshll.u32 s5, $0x1;
	s3 =	sadd.s32 s21, s20  }
0x14: {  	s23 =	simm.s32 $0x0;
	s4 =	sshll.u32 s4, $0x1;
	s5 =	sadd.s32 s22, s3  }
0x15: {  	[timem:s23], [sflag:s6] =	dma.local [hbm:s5], s4  }
0x16: {  	_ =	swait.ge [sflag:s6], s4  }
0x17: {  	s4 =	ssub.s32 $0x0, s4;
	[sflag:s6] =	ssyncset.done $0x0  }
0x18: {  	[sflag:s6] =	ssyncadd.s32 s4;
	_ =	sdelay $0x1  }
0x19: {  	s24 =	simm.s32 $0x1B8B  }
0x1a: {  	_ =	swait.ge [sflag:s24], $0x1  }
0x1b: {  	[sflag:s24] =	ssyncset.done $0x0  }
0x1c: {  	[sflag:s24] =	ssyncadd.s32 $0xFFFFFFFF  }
0x1d: {  	s4 =	sld [smem:$0x0]  }
0x1e: {  	s5 =	sand.u32 $0xFFFFFFFE, s1  }
0x1f: {  	p0 =	sne.s32 s1, s5  }
0x20: {  	s5 =	sshll.u32 @p0 s5, $0xE  }
0x21: {  	s5 =	sadd.s32 @p0 $0x11B8D, s5;
	s6 =	sshll.u32 @p0 s4, $0x11  }
0x22: {  	s5 =	sor.u32 @p0 s6, s5  }
0x23: {  	[sflag:s5] =	ssyncadd.remote.s32 @p0 $0x1;
	_ =	sdelay $0x1  }
0x24: {  	s5 =	simm.s32 @p0 $0x1B8D  }
0x25: {  	_ =	swait.eq @p0 [sflag:s5], $0x1  }
0x26: {  	[sflag:s5] =	ssyncadd.s32 @p0 $0xFFFFFFFF  }
0x27: {  	s6 =	sshll.u32 @!p0 s1, $0xE  }
0x28: {  	s6 =	sor.u32 @!p0 $0x4000, s6;
	s5 =	simm.s32 @!p0 $0x1B8D  }
0x29: {  	s4 =	sshll.u32 @!p0 s4, $0x11;
	s6 =	sadd.s32 @!p0 $0x11B8D, s6;
	_ =	swait.eq @!p0 [sflag:s5], $0x1  }
0x2a: {  	s4 =	sor.u32 @!p0 s4, s6;
	[sflag:s5] =	ssyncadd.s32 @!p0 $0xFFFFFFFF  }
0x2b: {  	s26 =	simm.s32 $0x1B8E;
	s25 =	sld [smem:$0x3FFE];
	[sflag:s4] =	ssyncadd.remote.s32 @!p0 $0x1  }
0x2c: {  	s27 =	simm.s32 $execute0_lowered;
	[smem:$0x3FD2] =	sst s26  }
0x2d: {  	s5 =	sshll.u32 s27, $0x1;
	_ =	strace $0x80000049;
	[dreg:$0x1] =	wrdreg $0xFFFFFFFF  }
0x2e: {  	s28 =	simm.s32 $_size_execute0_lowered;
	s3 =	sadd.s32 s3, s5;
	[dreg:$0x0] =	wrdreg $0x0  }
0x2f: {  	s5 =	sshll.u32 s28, $0x1;
	[dreg:$0x2] =	wrdreg s3  }
0x30: {  	[dreg:$0x3] =	wrdreg s5  }
0x31: {  	[dreg:$0x4] =	wrdreg $0xC0  }
0x32: {  	_ =	task [dreg:s23], $0x5FFFF  }
0x33: {  	[dreg:$0x1] =	wrdreg $0xFFFFFFFF  }
0x34: {  	[dreg:$0x0] =	wrdreg $0x60  }
0x35: {  	[dreg:$0x2] =	wrdreg s25  }
0x36: {  	[dreg:$0x3] =	wrdreg $0x9  }
0x37: {  	_ =	task.clear_ibuf [dreg:s23], $0x4FFFF;
	_ =	strace $0x90000049  }
0x38: {  	s29 =	simm.s32 $0x9;
	_ =	strace $0x8000004B  }
0x39: {  	_ =	swait.ge [sflag:s29], $0x1  }
0x3a: {  	[sflag:s29] =	ssyncadd.s32 $0xFFFFFFFF  }
0x3b: {  	_ =	strace $0x9000004B  }
0x3c: {  	_ =	sfence  }
0x3d: {  	s30 =	sld [smem:$0x0];
	_ =	sdelay $0x2  }
0x3e: {  	s31 =	sshll.u32 s1, $0xD;
	s1 =	sshrl.u32 s1, $0x2  }
0x3f: {  	s4 =	sand.u32 $0x4000, s31;
	s1 =	sadd.s32 s1, s30  }
0x40: {  	s0 =	sor.u32 s4, s0;
	s1 =	sshll.u32 s1, $0x11  }
0x41: {  	s0 =	sor.u32 s1, s0  }
0x42: {  	s0 =	sadd.s32 $0x8F2B, s0  }
0x43: {  	[sflag:s0] =	ssyncadd.remote.s32 $0x1  }
0x44: {  	_ =	sfence.sel $0xFFFF  }
0x45: {  	[dreg:$0x0] =	wrdreg $0xFFFFFFFF;
	(pc) =	sbr.abs _section_cstart, $3  }
0x46: {  	[dreg:$0x1] =	wrdreg $0xFFFFFFFF  }
0x47: {  	_ =	task.clear_ibuf [dreg:s23], $0x2FFFF;
	_ =	strace $0x9FFFFFFF  }
0x48: {  	(tm) =	ssettm $0x7FFFFFFF  }
0x49: {  	_ =	shalt  }
tec
execute0_lowered:
.L_overlay_start_1:
0x0: {  	(tag) =	ssettag $0x1  }
0x1: {  	s1 =	rddreg [dreg:$0x0]  }
0x2: {  	s0 =	rddreg [dreg:$0x1]  }
0x3: {  	_ =	strace $0x8000004A;
	s4 =	srdreg.scid;
	s6 =	simm.s32 $0x2  }
0x4: {  	s11 =	simm.s32 $0x0;
	p0 =	por $0x0, $0x0;
	s7 =	simm.s32 $0x4000  }
.Ltmp0:
0x5: {  	s12 =	simm.s32 $0x0;
	s9 =	simm.s32 $0x0;
	(pc) =	sbr.rel .LBB1_1-.Ltmp0, $4  }
0x6: {  	s2 =	sadd.s32 $0x100000, s1;
	s3 =	sadd.s32 $0x200000, s1;
	s5 =	sshll.u32 s4, $0x4  }
0x7: {  	s1 =	stileid.u32;
	s4 =	simm.s32 $0x1;
	s5 =	sand.u32 $0x10, s5  }
0x8: {  	s8 =	simm.s32 $0x0;
	[sflag:s4] =	ssyncpa.u1 $0x0;
	s5 =	sor.u32 s1, s5  }
0x9: {  	[sflag:s6] =	ssyncpa.u1 $0x0;
	s6 =	simm.s32 $0x400;
	s10 =	smov.u32 s5  }
.LBB1_7:
0xa: {  	s13 =	sadd.s32 $0x8, s9  }
0xb: {  	s11 =	sadd.s32 $0x20, s10;
	s15 =	smov.u32 s10;
	p2 =	sgt.s32 s13, $0x7F  }
0xc: {  	p1 =	slt.u32 s8, $0x2;
	s15 =	smov.u32 @p2 s11  }
0xd: {  	s8 =	sadd.s32 $0x1, s8;
	s13 =	simm.s32 @p2 $0x0;
	p2 =	sgt.s32 s15, $0x1F  }
0xe: {  	s15 =	smov.u32 @p2 s5;
	p2 =	sne.s32 s8, $0x12  }
.Ltmp1:
0xf: {  	_ = 	snop;
	(pc) =	sbr.rel @!p2 .LBB1_8-.Ltmp1, $4  }
0x10: {  	s14 =	simm.s32 @!p1 $0x2  }
0x11: {  	s12 =	smov.u32 s10;
	_ =	swait.ge @!p1 [sflag:s14], $0x4000  }
0x12: {  	p0 =	por !p0, !p0;
	s11 =	smov.u32 s9;
	[sflag:s14] =	ssyncset.done @!p1 $0x0  }
0x13: {  	s9 =	smov.u32 s13;
	[sflag:s14] =	ssyncadd.s32 @!p1 $0xFFFFC000;
	s10 =	smov.u32 s15  }
.LBB1_1:
0x14: {  	p1 =	sgt.u32 s8, $0xF  }
0x15: {  	s13 =	sxor.u32 @!p1 $0xFFFFFFFF, s8;
	s14 =	sshll.u32 @!p1 s10, $0xF  }
0x16: {  	s15 =	sshll.u32 @!p1 s9, $0x8;
	s13 =	sshll.u32 @!p1 s13, $0xE;
	s14 =	sadd.s32 @!p1 s2, s14  }
0x17: {  	s13 =	sand.u32 @!p1 $0x4000, s13;
	s14 =	sadd.s32 @!p1 s15, s14;
	s15 =	simm.s32 @!p1 $0x0  }
0x18: {  	[tilespmem:s13], [sflag:$0x1] =	stream.linear.gather @!p1 [hbm4b:s14+s15], $0x4000, $0x38;
	[tilespmem:$0x10000] =	vst v63  }
0x19: {  	p1 =	seq.s32 s8, $0x0  }
0x1a: {  	p2 =	seq.s32 @!p1 s8, $0x11  }
0x1b: {  	p1 =	por p1, p2  }
.Ltmp2:
0x1c: {  	_ = 	snop;
	(pc) =	sbr.rel @p1 .LBB1_7-.Ltmp2, $1  }
0x1d: {  	_ =	sdelay $0x3  }
0x1e: {  	s13 =	simm.s32 $0x1;
	_ =	swait.ge [sflag:s4], $0x4000;
	s16 =	sshll.u32 s8, $0xE  }
0x1f: {  	s13 =	simm.s32 @!p0 $0x0;
	[sflag:s4] =	ssyncset.done $0x0;
	s31 =	sand.u32 $0x4000, s16  }
0x20: {  	s16 =	simm.s32 $0x0;
	s14 =	sshll.u32 s13, $0xE;
	[sflag:s4] =	ssyncadd.s32 $0xFFFFC000  }
0x21: {  	s13 =	sor.u32 $0x8040, s14;
	s15 =	sor.u32 $0x40, s14;
	s14 =	sor.u32 $0x8000, s31  }
.LBB1_3:
0x22: {  	v0 =	vmov s15;
	_ =	sdelay $0x3  }
0x23: {  	s18 =	simm.s32 $0x0  }
0x24: {  	v6 =	vld.idx.msk [tilespmem:v0+s18+$0x30 ss:$0x1], $0xffff  }
0x25: {  	v7 =	vld.idx.msk [tilespmem:v0+s18+$0xFFFFFFC0 ss:$0x1], $0xffff  }
0x26: {  	v5 =	vld.idx.msk [tilespmem:v0+s18+$0xFFFFFFD0 ss:$0x1], $0xffff  }
0x27: {  	v4 =	vld.idx.msk [tilespmem:v0+s18+$0xFFFFFFE0 ss:$0x1], $0xffff  }
0x28: {  	v3 =	vld.idx.msk [tilespmem:v0+s18+$0xFFFFFFF0 ss:$0x1], $0xffff  }
0x29: {  	v1 =	vld.idx.msk [tilespmem:v0+s18+$0x0 ss:$0x1], $0xffff  }
0x2a: {  	v2 =	vld.idx.msk [tilespmem:v0+s18+$0x10 ss:$0x1], $0xffff;
	[tilespmem:s13+$0x30] =	vst v6  }
0x2b: {  	s17 =	simm.s32 $0x80;
	s19 =	simm.s32 $0x400;
	[tilespmem:s13+$0xFFFFFFC0] =	vst v7;
	v6 =	vld.idx.msk [tilespmem:v0+s18+$0x20 ss:$0x1], $0xffff;
	s18 =	smov.u32 s13  }
.LBB1_4:
0x2c: {  	p1 =	sne.s32 s19, $0x1E00;
	v7 =	vld.idx.msk [tilespmem:v0+s17+$0x30 ss:$0x1], $0xffff;
	[tilespmem:s18+$0xFFFFFFD0] =	vst v5  }
0x2d: {  	v8 =	vld.idx.msk [tilespmem:v0+s17+$0xFFFFFFC0 ss:$0x1], $0xffff;
	[tilespmem:s18+$0xFFFFFFE0] =	vst v4  }
0x2e: {  	v5 =	vld.idx.msk [tilespmem:v0+s17+$0xFFFFFFD0 ss:$0x1], $0xffff;
	[tilespmem:s18+$0xFFFFFFF0] =	vst v3  }
.Ltmp3:
0x2f: {  	v4 =	vld.idx.msk [tilespmem:v0+s17+$0xFFFFFFE0 ss:$0x1], $0xffff;
	[tilespmem:s18+$0x0] =	vst v1;
	(pc) =	sbr.rel @p1 .LBB1_4-.Ltmp3, $4  }
0x30: {  	v3 =	vld.idx.msk [tilespmem:v0+s17+$0xFFFFFFF0 ss:$0x1], $0xffff;
	[tilespmem:s18+$0x10] =	vst v2  }
0x31: {  	v1 =	vld.idx.msk [tilespmem:v0+s17+$0x0 ss:$0x1], $0xffff;
	[tilespmem:s18+$0x20] =	vst v6;
	s18 =	sadd.s32 $0x400, s18  }
0x32: {  	v2 =	vld.idx.msk [tilespmem:v0+s17+$0x10 ss:$0x1], $0xffff;
	[tilespmem:s18+$0x30] =	vst v7  }
0x33: {  	[tilespmem:s18+$0xFFFFFFC0] =	vst v8;
	v6 =	vld.idx.msk [tilespmem:v0+s17+$0x20 ss:$0x1], $0xffff;
	s17 =	sshra.s32 s19, $0x2;
	s19 =	sadd.s32 $0x200, s19  }
0x34: {  	_ =	sdelay $0x2  }
0x35: {  	[tilespmem:s18+$0xFFFFFFD0] =	vst v5  }
0x36: {  	v56 =	vld.idx.msk [tilespmem:v0+s17+$0x30 ss:$0x1], $0xffff;
	[tilespmem:s18+$0xFFFFFFE0] =	vst v4  }
0x37: {  	v57 =	vld.idx.msk [tilespmem:v0+s17+$0xFFFFFFC0 ss:$0x1], $0xffff;
	[tilespmem:s18+$0xFFFFFFF0] =	vst v3  }
0x38: {  	v58 =	vld.idx.msk [tilespmem:v0+s17+$0xFFFFFFD0 ss:$0x1], $0xffff;
	[tilespmem:s18+$0x0] =	vst v1  }
0x39: {  	v59 =	vld.idx.msk [tilespmem:v0+s17+$0xFFFFFFE0 ss:$0x1], $0xffff;
	[tilespmem:s18+$0x10] =	vst v2  }
0x3a: {  	v60 =	vld.idx.msk [tilespmem:v0+s17+$0xFFFFFFF0 ss:$0x1], $0xffff;
	s31 =	sadd.s32 $0x400, s18;
	[tilespmem:s18+$0x20] =	vst v6  }
0x3b: {  	v61 =	vld.idx.msk [tilespmem:v0+s17+$0x0 ss:$0x1], $0xffff;
	[tilespmem:s31+$0x30] =	vst v56  }
0x3c: {  	v62 =	vld.idx.msk [tilespmem:v0+s17+$0x10 ss:$0x1], $0xffff;
	s16 =	sadd.s32 $0x1, s16;
	[tilespmem:s31+$0xFFFFFFC0] =	vst v57  }
0x3d: {  	v63 =	vld.idx.msk [tilespmem:v0+s17+$0x20 ss:$0x1], $0xffff;
	p1 =	sne.s32 s16, $0x8;
	[tilespmem:s31+$0xFFFFFFD0] =	vst v58  }
.Ltmp4:
0x3e: {  	[tilespmem:s31+$0xFFFFFFE0] =	vst v59;
	(pc) =	sbr.rel @p1 .LBB1_3-.Ltmp4, $4  }
0x3f: {  	[tilespmem:s31+$0xFFFFFFF0] =	vst v60  }
0x40: {  	[tilespmem:s31+$0x0] =	vst v61  }
0x41: {  	[tilespmem:s31+$0x10] =	vst v62  }
0x42: {  	s13 =	sadd.s32 $0x80, s13;
	s15 =	sadd.s32 $0x800, s15;
	[tilespmem:s31+$0x20] =	vst v63  }
.Ltmp5:
0x43: {  	(pc) =	sbr.rel .LBB1_7-.Ltmp5, $4  }
0x44: {  	s12 =	sshll.u32 s12, $0xF;
	s11 =	sshll.u32 s11, $0x4  }
0x45: {  	s11 =	sand.u32 $0x7F0, s11;
	s12 =	sadd.s32 s3, s12  }
0x46: {  	s11 =	sadd.s32 s11, s12  }
0x47: {  	[hbm4b:s11+s6] =	stream.strided.scatter [tilespmem:s14], [sflag:$0x2], $0x4000, s7, s6, $0x38;
	[tilespmem:$0x10000] =	vst v63  }
.LBB1_8:
0x48: {  	_ =	sfence.sel $0x180000  }
0x49: {  	s2 =	simm.s32 $0x1;
	[bflag:$0x0] =	sbarrier.arrive $0xFFFF  }
0x4a: {  	s31 =	simm.s32 $0x2;
	[sflag:s2] =	ssyncpa.u1 $0x1  }
0x4b: {  	[sflag:s31] =	ssyncpa.u1 $0x1  }
0x4c: {  	p0 =	sne.s32 s1, $0x0;
	_ =	strace $0x9000004A  }
0x4d: {  	s0 =	sadd.s32 @!p0 $0x100000, s0;
	[bflag:$0x2] =	sbarrier.arrive $0xFFFF  }
0x4e: {  	[sflag:s0] =	ssyncadd.tile.s32 @!p0 $0x1;
	_ =	shalt  }
.Lfunc_end1:
_tile_overlayer_lowered:
.L_overlay_start_2:
0x4f: {  	(tag) =	ssettag $0x2  }
0x50: {  	s0 =	rddreg [dreg:$0x0];
	s2 =	stileid.u32  }
0x51: {  	s1 =	rddreg [dreg:$0x1];
	p0 =	sne.s32 s2, $0x0  }
0x52: {  	s3 =	rddreg [dreg:$0x2];
	[bflag:$0x3] =	sbarrier.arrive $0xFFFF;
	s2 =	simm.s32 @!p0 $0x1C01  }
0x53: {  	[timem:s3], [sflag:s2] =	dma.local @!p0 [hbm:s0], s1  }
0x54: {  	s0 =	simm.s32 @!p0 $0x1  }
0x55: {  	_ =	swait.ge @!p0 [sflag:s0], s1  }
0x56: {  	s1 =	ssub.s32 @!p0 $0x0, s1;
	[sflag:s0] =	ssyncset.done @!p0 $0x0  }
0x57: {  	[sflag:s0] =	ssyncadd.s32 @!p0 s1  }
0x58: {  	[bflag:$0x3] =	sbarrier.arrive $0xFFFF  }
0x59: {  	_ =	shalt  }

</sc_bundles>
